<compile_context>
chip_gen: v7x
topology: tpu7x:2x2x1
jax: 0.10.2.dev20260603
libtpu: 0.0.44.dev20260713+nightly
codegen_flags: <defaults>
</compile_context>

<pallas_src>
import jax
import jax.numpy as jnp
from jax import lax
from jax.experimental import pallas as pl
from jax.experimental.pallas import tpu as pltpu
from jax.experimental.pallas import tpu_sc as plsc

F = 26
B = 4096
MK = 1024
M = 4
PLEN = 16
N = B * F
NW = 32
NPW = N // NW
CH = NPW // 2
NCH = M * NPW // CH
DMA_I = 128
SC_DMAS = CH // DMA_I
WROWS = NPW // DMA_I


def _body(xT_hbm, cbiT_hbm, cb2_hbm, out_hbm,
          xv, cr4, idx2, widx, gv, sem1, sem2, sem3, sem4):
    nc = 2
    wid = lax.axis_index("s") * nc + lax.axis_index("c")
    base = wid * NPW

    pltpu.sync_copy(xT_hbm.at[pl.ds(base, NPW)], xv)

    lane = lax.iota(jnp.int32, 16)

    def add_off(q, _):
        nv = base + 16 * q + lane
        f = lax.shift_right_logical(nv, 12)
        xv[pl.ds(q * 16, 16)] = xv[pl.ds(q * 16, 16)] + f * 40000
        return _
    lax.fori_loop(0, NPW // 16, add_off, None)

    def s1(i):
        return pltpu.make_async_copy(cbiT_hbm.at[i].at[xv], cr4.at[i], sem1)
    for i in range(M):
        s1(i).start()

    def mk_widx(q, _):
        nv = base + 16 * q + lane
        b = nv & 4095
        f = lax.shift_right_logical(nv, 12)
        w0 = (f << 14) + ((b & 2047) << 3) + \
            (lax.shift_right_logical(b, 11) << 2)
        r = lax.shift_right_logical(q, 3)
        c = 16 * lax.rem(q, 8)
        for i in range(M):
            widx[i * WROWS + r, pl.ds(c, 16)] = w0 + i
        return _
    lax.fori_loop(0, NPW // 16, mk_widx, None)

    def mk_idx(i):
        def step(q, _):
            nv = base + 16 * q + lane
            cvec = cr4[i, pl.ds(q * 16, 16)]
            idx2[pl.ds(i * NPW + q * 16, 16)] = \
                (cvec << 2) + (nv & ~jnp.int32(4095)) + i
            return _
        lax.fori_loop(0, NPW // 16, step, None)

    def g(c):
        return pltpu.make_async_copy(
            cb2_hbm.at[idx2.at[pl.ds(c * CH, CH)]], gv.at[c & 1], sem2)

    def s(c, j, ssem):
        return pltpu.make_async_copy(
            gv.at[c & 1].at[pl.ds(j * DMA_I, DMA_I)],
            out_hbm.at[widx.at[c * SC_DMAS + j]], ssem)

    ssems = (sem3, sem4)
    s1(0).wait()
    mk_idx(0)
    g(0).start()
    for c in range(NCH):
        if c + 1 < NCH and (c + 1) % 2 == 0:
            s1((c + 1) >> 1).wait()
            mk_idx((c + 1) >> 1)
        g(c).wait()

        def sc_start(j, _, c=c):
            s(c, j, ssems[c & 1]).start()
            return _
        lax.fori_loop(0, SC_DMAS, sc_start, None)
        if c + 1 < NCH:
            if c >= 1:
                def sc_wait(j, _, c=c):
                    s(c - 1, j, ssems[(c - 1) & 1]).wait()
                    return _
                lax.fori_loop(0, SC_DMAS, sc_wait, None)
            g(c + 1).start()
    for c in (NCH - 2, NCH - 1):
        def sc_wait2(j, _, c=c):
            s(c, j, ssems[c & 1]).wait()
            return _
        lax.fori_loop(0, SC_DMAS, sc_wait2, None)


def _tc_transpose(in_ref, out_ref):
    out_ref[0, :, 0:B // 2] = in_ref[0, :, 0:M * PLEN].T
    out_ref[0, :, B // 2:B] = in_ref[0, :, M * PLEN:2 * M * PLEN].T


@jax.jit
def kernel(x, codebooks, cb_index):
    xTf = x.T.reshape(N)
    cbiT = cb_index.T
    cb2 = codebooks.reshape(F * MK * M, PLEN)

    run = pl.kernel(
        _body,
        out_type=jax.ShapeDtypeStruct((N * M, PLEN), jnp.float32),
        mesh=plsc.VectorSubcoreMesh(core_axis_name="c", subcore_axis_name="s"),
        scratch_types=[
            pltpu.VMEM((NPW,), jnp.int32),
            pltpu.VMEM((M, NPW), jnp.int32),
            pltpu.VMEM((M * NPW,), jnp.int32),
            pltpu.VMEM((M * WROWS, DMA_I), jnp.int32),
            pltpu.VMEM((2, CH, PLEN), jnp.float32),
            pltpu.SemaphoreType.DMA,
            pltpu.SemaphoreType.DMA,
            pltpu.SemaphoreType.DMA,
            pltpu.SemaphoreType.DMA,
        ],
        compiler_params=pltpu.CompilerParams(use_tc_tiling_on_sc=False),
    )
    out = run(xTf, cbiT, cb2)
    t = pl.pallas_call(
        _tc_transpose,
        grid=(F,),
        in_specs=[pl.BlockSpec((1, B // 2, 2 * M * PLEN),
                               lambda f: (f, 0, 0))],
        out_specs=pl.BlockSpec((1, M * PLEN, B), lambda f: (f, 0, 0)),
        out_shape=jax.ShapeDtypeStruct((F, M * PLEN, B), jnp.float32),
    )(out.reshape(F, B // 2, 2 * M * PLEN))
    return jnp.transpose(t, (2, 0, 1))

# --- scband reference (transcript-rebuilt; emitter-appended) ---
"""Pipeline reference for scband-quatization-embedding-26654567039199 (READ-ONLY COPY).

The authoritative reference and input builder live on the scoring server;
editing this copy changes nothing except your own understanding.
"""

import jax, jax.numpy as jnp
import numpy as np

FIELD_DIMS = [40000] * 26
MAX_K = 1024
M = 4
DIM = 64
BATCH = 4096
NUM_FIELDS = len(FIELD_DIMS)
TOTAL_VOCAB = int(np.sum(FIELD_DIMS))
OFFSETS_A = np.array((0, *np.cumsum(FIELD_DIMS)[:-1]), dtype=np.int32)
INDEX_OFFSETS = np.array([i * MAX_K for i in range(NUM_FIELDS)], dtype=np.int32)


def setup_inputs(seed: int = 0) -> dict:
    key = jax.random.key(seed)
    k1, k2, k3 = jax.random.split(key, 3)
    x = jax.random.randint(k1, (BATCH, NUM_FIELDS), 0, 40000, dtype=jnp.int32)
    codebooks = jax.random.normal(k2, (NUM_FIELDS * MAX_K, DIM), dtype=jnp.float32) * 0.01
    cb_index = jax.random.randint(k3, (TOTAL_VOCAB, M), 0, MAX_K, dtype=jnp.int32)
    return {"x": x, "codebooks": codebooks, "cb_index": cb_index}


def reference(x, codebooks, cb_index):
    # x: int[B, F]; add per-field offsets into the flat cb_index table
    xo = x + jnp.asarray(OFFSETS_A)[None, :]
    # gather PQ code indices: [B, F, M]
    index = jnp.take(cb_index, xo, axis=0)
    plen = DIM // M
    parts = []
    for i in range(M):
        # per-subvector code index, offset into per-field codebook region
        index_i = index[:, :, i] + jnp.asarray(INDEX_OFFSETS)[None, :]
        cb = jnp.take(codebooks, index_i, axis=0)  # [B, F, DIM]
        parts.append(cb[:, :, i * plen:(i + 1) * plen])
    emb = jnp.concatenate(parts, axis=-1)  # [B, F, DIM]
    return emb

if __name__ == "__main__":
    import jax
    _d = setup_inputs()
    print(jax.jit(kernel)(*tuple(_d.values())))

</pallas_src>

<mosaic_0001>
#map = affine_map<(d0, d1) -> (0)>
#map1 = affine_map<(d0, d1) -> (0, 0)>
module attributes {stable_mosaic.version = 14 : i64} {
  func.func @_body(%arg0: i32, %arg1: i32, %arg2: memref<106496xi32, #tpu.memory_space<hbm>>, %arg3: memref<4x1040000xi32, #tpu.memory_space<hbm>>, %arg4: memref<106496x16xf32, #tpu.memory_space<hbm>>, %arg5: memref<425984x16xf32, #tpu.memory_space<hbm>>, %arg6: memref<3328xi32, #tpu.memory_space<vmem>>, %arg7: memref<4x3328xi32, #tpu.memory_space<vmem>>, %arg8: memref<13312xi32, #tpu.memory_space<vmem>>, %arg9: memref<104x128xi32, #tpu.memory_space<vmem>>, %arg10: memref<2x1664x16xf32, #tpu.memory_space<vmem>>, %arg11: memref<!tpu.dma_semaphore, #tpu.memory_space<semaphore_mem>>, %arg12: memref<!tpu.dma_semaphore, #tpu.memory_space<semaphore_mem>>, %arg13: memref<!tpu.dma_semaphore, #tpu.memory_space<semaphore_mem>>, %arg14: memref<!tpu.dma_semaphore, #tpu.memory_space<semaphore_mem>>) attributes {dimension_semantics = [#tpu.dimension_semantics<core_parallel>, #tpu.dimension_semantics<subcore_parallel>], iteration_bounds = array<i64: 2, 16>, scalar_prefetch = 0 : i64, scratch_operands = 9 : i64, tpu.core_type = #tpu.core_type<sc_vector_subcore>, window_params = [{transform_indices = #map}, {transform_indices = #map1}, {transform_indices = #map1}, {transform_indices = #map1}]} {
    %mul3A = arith.constant 2 : i32
    %mul3A_0 = arith.muli %arg1, %mul3A : i32
    %add3A = arith.addi %mul3A_0, %arg0 : i32
    %mul3A_1 = arith.constant 3328 : i32
    %mul3A_2 = arith.muli %add3A, %mul3A_1 : i32
    "tpu.region"() ({
      %run_scoped3A = tpu.sem_alloc : memref<!tpu.dma_semaphore, #tpu.memory_space<semaphore_mem>>
      %dma_start3A_350 = tpu.memref_slice %arg2[%mul3A_2] : memref<106496xi32, #tpu.memory_space<hbm>> -> memref<3328xi32, #tpu.memory_space<hbm>>
      %dma_start3A_351 = tpu.memref_slice %arg2[%mul3A_2] : memref<106496xi32, #tpu.memory_space<hbm>> -> memref<3328xi32, #tpu.memory_space<hbm>>
      tpu.enqueue_dma source(%dma_start3A_351 : memref<3328xi32, #tpu.memory_space<hbm>>) target(%arg6 : memref<3328xi32, #tpu.memory_space<vmem>>) target_semaphore(%run_scoped3A : memref<!tpu.dma_semaphore, #tpu.memory_space<semaphore_mem>>)
      %dma_wait3A_352 = tpu.memref_slice %arg2[%mul3A_2] : memref<106496xi32, #tpu.memory_space<hbm>> -> memref<3328xi32, #tpu.memory_space<hbm>>
      %dma_wait3A_353 = tpu.memref_slice %arg2[%mul3A_2] : memref<106496xi32, #tpu.memory_space<hbm>> -> memref<3328xi32, #tpu.memory_space<hbm>>
      tpu.wait_dma2 semaphore(%run_scoped3A : memref<!tpu.dma_semaphore, #tpu.memory_space<semaphore_mem>>) src(%dma_wait3A_353 : memref<3328xi32, #tpu.memory_space<hbm>>) dst(%arg6 : memref<3328xi32, #tpu.memory_space<vmem>>)
      tpu.yield
    }) : () -> ()
    %iota3A = tpu.iota {dimensions = array<i32: 0>} : vector<16xi32>
    %scan3A = arith.constant 0 : i32
    %scan3A_3 = arith.constant 208 : i32
    %scan3A_4 = arith.addi %scan3A, %scan3A_3 : i32
    %scan3A_5 = arith.constant 1 : i32
    scf.for %scan3A_350 = %scan3A to %scan3A_4 step %scan3A_5  : i32 {
      %mul3A_351 = arith.constant 16 : i32
      %mul3A_352 = arith.muli %mul3A_351, %scan3A_350 : i32
      %add3A_353 = arith.addi %mul3A_2, %mul3A_352 : i32
      %add3A_354 = vector.broadcast %add3A_353 : i32 to vector<16xi32>
      %add3A_355 = arith.addi %add3A_354, %iota3A : vector<16xi32>
      %shift_right_logical3A = arith.constant 12 : i32
      %shift_right_logical3A_356 = vector.broadcast %shift_right_logical3A : i32 to vector<16xi32>
      %shift_right_logical3A_357 = arith.shrui %add3A_355, %shift_right_logical3A_356 : vector<16xi32>
      %mul3A_358 = arith.constant 16 : i32
      %mul3A_359 = arith.muli %scan3A_350, %mul3A_358 : i32
      %get3A = arith.index_cast %mul3A_359 : i32 to index
      %get3A_360 = tpu.vector_load %arg6[%get3A] {strides = array<i32>} : memref<3328xi32, #tpu.memory_space<vmem>>, vector<16xi32>,
      %get3A_361 = vector.shape_cast %get3A_360 : vector<16xi32> to vector<16xi32>
      %mul3A_362 = arith.constant 40000 : i32
      %mul3A_363 = vector.broadcast %mul3A_362 : i32 to vector<16xi32>
      %mul3A_364 = arith.muli %shift_right_logical3A_357, %mul3A_363 : vector<16xi32>
      %add3A_365 = arith.addi %get3A_361, %mul3A_364 : vector<16xi32>
      %mul3A_366 = arith.constant 16 : i32
      %mul3A_367 = arith.muli %scan3A_350, %mul3A_366 : i32
      %swap3A = arith.index_cast %mul3A_367 : i32 to index
      %swap3A_368 = tpu.vector_load %arg6[%swap3A] {strides = array<i32>} : memref<3328xi32, #tpu.memory_space<vmem>>, vector<16xi32>,
      %swap3A_369 = vector.shape_cast %swap3A_368 : vector<16xi32> to vector<16xi32>
      %swap3A_370 = vector.shape_cast %add3A_365 : vector<16xi32> to vector<16xi32>
      tpu.vector_store %arg6[%swap3A], %swap3A_370 {strides = array<i32>} : memref<3328xi32, #tpu.memory_space<vmem>>, vector<16xi32>,
    }
    %scan3A_6 = arith.constant 208 : i32
    %dma_start3A = arith.constant 0 : i32
    %dma_start3A_7 = arith.constant 0 : i32
    %dma_start3A_8 = arith.constant 0 : i32
    %dma_start3A_9 = tpu.memref_slice %arg7[%dma_start3A_7, %dma_start3A_8] : memref<4x3328xi32, #tpu.memory_space<vmem>> -> memref<1x3328xi32, #tpu.memory_space<vmem>>
    %dma_start3A_10 = tpu.memref_squeeze %dma_start3A_9 : memref<1x3328xi32, #tpu.memory_space<vmem>> -> memref<3328xi32, #tpu.memory_space<vmem>>
    %dma_start3A_11 = arith.constant 0 : i32
    %dma_start3A_12 = tpu.memref_slice %arg3[%dma_start3A, %dma_start3A_11] : memref<4x1040000xi32, #tpu.memory_space<hbm>> -> memref<1x1040000xi32, #tpu.memory_space<hbm>>
    %dma_start3A_13 = tpu.memref_squeeze %dma_start3A_12 : memref<1x1040000xi32, #tpu.memory_space<hbm>> -> memref<1040000xi32, #tpu.memory_space<hbm>>
    %dma_start3A_14 = arith.constant 0 : i32
    %dma_start3A_15 = tpu.memref_slice %dma_start3A_13[%dma_start3A_14] : memref<1040000xi32, #tpu.memory_space<hbm>> -> memref<1040000xi32, #tpu.memory_space<hbm>>
    tpu.enqueue_indirect_dma source(%dma_start3A_15 : memref<1040000xi32, #tpu.memory_space<hbm>>) target(%dma_start3A_10 : memref<3328xi32, #tpu.memory_space<vmem>>) offsets(%arg6 : memref<3328xi32, #tpu.memory_space<vmem>>) semaphore(%arg11 : memref<!tpu.dma_semaphore, #tpu.memory_space<semaphore_mem>>)
    %dma_start3A_16 = arith.constant 1 : i32
    %dma_start3A_17 = arith.constant 1 : i32
    %dma_start3A_18 = arith.constant 0 : i32
    %dma_start3A_19 = tpu.memref_slice %arg7[%dma_start3A_17, %dma_start3A_18] : memref<4x3328xi32, #tpu.memory_space<vmem>> -> memref<1x3328xi32, #tpu.memory_space<vmem>>
    %dma_start3A_20 = tpu.memref_squeeze %dma_start3A_19 : memref<1x3328xi32, #tpu.memory_space<vmem>> -> memref<3328xi32, #tpu.memory_space<vmem>>
    %dma_start3A_21 = arith.constant 0 : i32
    %dma_start3A_22 = tpu.memref_slice %arg3[%dma_start3A_16, %dma_start3A_21] : memref<4x1040000xi32, #tpu.memory_space<hbm>> -> memref<1x1040000xi32, #tpu.memory_space<hbm>>
    %dma_start3A_23 = tpu.memref_squeeze %dma_start3A_22 : memref<1x1040000xi32, #tpu.memory_space<hbm>> -> memref<1040000xi32, #tpu.memory_space<hbm>>
    %dma_start3A_24 = arith.constant 0 : i32
    %dma_start3A_25 = tpu.memref_slice %dma_start3A_23[%dma_start3A_24] : memref<1040000xi32, #tpu.memory_space<hbm>> -> memref<1040000xi32, #tpu.memory_space<hbm>>
    tpu.enqueue_indirect_dma source(%dma_start3A_25 : memref<1040000xi32, #tpu.memory_space<hbm>>) target(%dma_start3A_20 : memref<3328xi32, #tpu.memory_space<vmem>>) offsets(%arg6 : memref<3328xi32, #tpu.memory_space<vmem>>) semaphore(%arg11 : memref<!tpu.dma_semaphore, #tpu.memory_space<semaphore_mem>>)
    %dma_start3A_26 = arith.constant 2 : i32
    %dma_start3A_27 = arith.constant 2 : i32
    %dma_start3A_28 = arith.constant 0 : i32
    %dma_start3A_29 = tpu.memref_slice %arg7[%dma_start3A_27, %dma_start3A_28] : memref<4x3328xi32, #tpu.memory_space<vmem>> -> memref<1x3328xi32, #tpu.memory_space<vmem>>
    %dma_start3A_30 = tpu.memref_squeeze %dma_start3A_29 : memref<1x3328xi32, #tpu.memory_space<vmem>> -> memref<3328xi32, #tpu.memory_space<vmem>>
    %dma_start3A_31 = arith.constant 0 : i32
    %dma_start3A_32 = tpu.memref_slice %arg3[%dma_start3A_26, %dma_start3A_31] : memref<4x1040000xi32, #tpu.memory_space<hbm>> -> memref<1x1040000xi32, #tpu.memory_space<hbm>>
    %dma_start3A_33 = tpu.memref_squeeze %dma_start3A_32 : memref<1x1040000xi32, #tpu.memory_space<hbm>> -> memref<1040000xi32, #tpu.memory_space<hbm>>
    %dma_start3A_34 = arith.constant 0 : i32
    %dma_start3A_35 = tpu.memref_slice %dma_start3A_33[%dma_start3A_34] : memref<1040000xi32, #tpu.memory_space<hbm>> -> memref<1040000xi32, #tpu.memory_space<hbm>>
    tpu.enqueue_indirect_dma source(%dma_start3A_35 : memref<1040000xi32, #tpu.memory_space<hbm>>) target(%dma_start3A_30 : memref<3328xi32, #tpu.memory_space<vmem>>) offsets(%arg6 : memref<3328xi32, #tpu.memory_space<vmem>>) semaphore(%arg11 : memref<!tpu.dma_semaphore, #tpu.memory_space<semaphore_mem>>)
    %dma_start3A_36 = arith.constant 3 : i32
    %dma_start3A_37 = arith.constant 3 : i32
    %dma_start3A_38 = arith.constant 0 : i32
    %dma_start3A_39 = tpu.memref_slice %arg7[%dma_start3A_37, %dma_start3A_38] : memref<4x3328xi32, #tpu.memory_space<vmem>> -> memref<1x3328xi32, #tpu.memory_space<vmem>>
    %dma_start3A_40 = tpu.memref_squeeze %dma_start3A_39 : memref<1x3328xi32, #tpu.memory_space<vmem>> -> memref<3328xi32, #tpu.memory_space<vmem>>
    %dma_start3A_41 = arith.constant 0 : i32
    %dma_start3A_42 = tpu.memref_slice %arg3[%dma_start3A_36, %dma_start3A_41] : memref<4x1040000xi32, #tpu.memory_space<hbm>> -> memref<1x1040000xi32, #tpu.memory_space<hbm>>
    %dma_start3A_43 = tpu.memref_squeeze %dma_start3A_42 : memref<1x1040000xi32, #tpu.memory_space<hbm>> -> memref<1040000xi32, #tpu.memory_space<hbm>>
    %dma_start3A_44 = arith.constant 0 : i32
    %dma_start3A_45 = tpu.memref_slice %dma_start3A_43[%dma_start3A_44] : memref<1040000xi32, #tpu.memory_space<hbm>> -> memref<1040000xi32, #tpu.memory_space<hbm>>
    tpu.enqueue_indirect_dma source(%dma_start3A_45 : memref<1040000xi32, #tpu.memory_space<hbm>>) target(%dma_start3A_40 : memref<3328xi32, #tpu.memory_space<vmem>>) offsets(%arg6 : memref<3328xi32, #tpu.memory_space<vmem>>) semaphore(%arg11 : memref<!tpu.dma_semaphore, #tpu.memory_space<semaphore_mem>>)
    %scan3A_46 = arith.constant 0 : i32
    %scan3A_47 = arith.constant 208 : i32
    %scan3A_48 = arith.addi %scan3A_46, %scan3A_47 : i32
    %scan3A_49 = arith.constant 1 : i32
    scf.for %scan3A_350 = %scan3A_46 to %scan3A_48 step %scan3A_49  : i32 {
      %mul3A_351 = arith.constant 16 : i32
      %mul3A_352 = arith.muli %mul3A_351, %scan3A_350 : i32
      %add3A_353 = arith.addi %mul3A_2, %mul3A_352 : i32
      %add3A_354 = vector.broadcast %add3A_353 : i32 to vector<16xi32>
      %add3A_355 = arith.addi %add3A_354, %iota3A : vector<16xi32>
      %and3A = arith.constant 4095 : i32
      %and3A_356 = vector.broadcast %and3A : i32 to vector<16xi32>
      %and3A_357 = arith.andi %add3A_355, %and3A_356 : vector<16xi32>
      %shift_right_logical3A = arith.constant 12 : i32
      %shift_right_logical3A_358 = vector.broadcast %shift_right_logical3A : i32 to vector<16xi32>
      %shift_right_logical3A_359 = arith.shrui %add3A_355, %shift_right_logical3A_358 : vector<16xi32>
      %shift_left3A = arith.constant 14 : i32
      %shift_left3A_360 = vector.broadcast %shift_left3A : i32 to vector<16xi32>
      %shift_left3A_361 = arith.shli %shift_right_logical3A_359, %shift_left3A_360 : vector<16xi32>
      %and3A_362 = arith.constant 2047 : i32
      %and3A_363 = vector.broadcast %and3A_362 : i32 to vector<16xi32>
      %and3A_364 = arith.andi %and3A_357, %and3A_363 : vector<16xi32>
      %shift_left3A_365 = arith.constant 3 : i32
      %shift_left3A_366 = vector.broadcast %shift_left3A_365 : i32 to vector<16xi32>
      %shift_left3A_367 = arith.shli %and3A_364, %shift_left3A_366 : vector<16xi32>
      %add3A_368 = arith.addi %shift_left3A_361, %shift_left3A_367 : vector<16xi32>
      %shift_right_logical3A_369 = arith.constant 11 : i32
      %shift_right_logical3A_370 = vector.broadcast %shift_right_logical3A_369 : i32 to vector<16xi32>
      %shift_right_logical3A_371 = arith.shrui %and3A_357, %shift_right_logical3A_370 : vector<16xi32>
      %shift_left3A_372 = arith.constant 2 : i32
      %shift_left3A_373 = vector.broadcast %shift_left3A_372 : i32 to vector<16xi32>
      %shift_left3A_374 = arith.shli %shift_right_logical3A_371, %shift_left3A_373 : vector<16xi32>
      %add3A_375 = arith.addi %add3A_368, %shift_left3A_374 : vector<16xi32>
      %shift_right_logical3A_376 = arith.constant 3 : i32
      %shift_right_logical3A_377 = arith.shrui %scan3A_350, %shift_right_logical3A_376 : i32
      %rem3A = arith.constant 8 : i32
      %rem3A_378 = arith.remsi %scan3A_350, %rem3A : i32
      %mul3A_379 = arith.constant 16 : i32
      %mul3A_380 = arith.muli %mul3A_379, %rem3A_378 : i32
      %add3A_381 = arith.constant 0 : i32
      %add3A_382 = vector.broadcast %add3A_381 : i32 to vector<16xi32>
      %add3A_383 = arith.addi %add3A_375, %add3A_382 : vector<16xi32>
      %add3A_384 = arith.constant 0 : i32
      %add3A_385 = arith.addi %add3A_384, %shift_right_logical3A_377 : i32
      %swap3A = arith.index_cast %add3A_385 : i32 to index
      %swap3A_386 = arith.index_cast %mul3A_380 : i32 to index
      %swap3A_387 = tpu.vector_load %arg9[%swap3A, %swap3A_386] {strides = array<i32>} : memref<104x128xi32, #tpu.memory_space<vmem>>, vector<1x16xi32>,
      %swap3A_388 = vector.shape_cast %swap3A_387 : vector<1x16xi32> to vector<16xi32>
      %swap3A_389 = vector.shape_cast %add3A_383 : vector<16xi32> to vector<1x16xi32>
      tpu.vector_store %arg9[%swap3A, %swap3A_386], %swap3A_389 {strides = array<i32>} : memref<104x128xi32, #tpu.memory_space<vmem>>, vector<1x16xi32>,
      %add3A_390 = arith.constant 1 : i32
      %add3A_391 = vector.broadcast %add3A_390 : i32 to vector<16xi32>
      %add3A_392 = arith.addi %add3A_375, %add3A_391 : vector<16xi32>
      %add3A_393 = arith.constant 26 : i32
      %add3A_394 = arith.addi %add3A_393, %shift_right_logical3A_377 : i32
      %swap3A_395 = arith.index_cast %add3A_394 : i32 to index
      %swap3A_396 = arith.index_cast %mul3A_380 : i32 to index
      %swap3A_397 = tpu.vector_load %arg9[%swap3A_395, %swap3A_396] {strides = array<i32>} : memref<104x128xi32, #tpu.memory_space<vmem>>, vector<1x16xi32>,
      %swap3A_398 = vector.shape_cast %swap3A_397 : vector<1x16xi32> to vector<16xi32>
      %swap3A_399 = vector.shape_cast %add3A_392 : vector<16xi32> to vector<1x16xi32>
      tpu.vector_store %arg9[%swap3A_395, %swap3A_396], %swap3A_399 {strides = array<i32>} : memref<104x128xi32, #tpu.memory_space<vmem>>, vector<1x16xi32>,
      %add3A_400 = arith.constant 2 : i32
      %add3A_401 = vector.broadcast %add3A_400 : i32 to vector<16xi32>
      %add3A_402 = arith.addi %add3A_375, %add3A_401 : vector<16xi32>
      %add3A_403 = arith.constant 52 : i32
      %add3A_404 = arith.addi %add3A_403, %shift_right_logical3A_377 : i32
      %swap3A_405 = arith.index_cast %add3A_404 : i32 to index
      %swap3A_406 = arith.index_cast %mul3A_380 : i32 to index
      %swap3A_407 = tpu.vector_load %arg9[%swap3A_405, %swap3A_406] {strides = array<i32>} : memref<104x128xi32, #tpu.memory_space<vmem>>, vector<1x16xi32>,
      %swap3A_408 = vector.shape_cast %swap3A_407 : vector<1x16xi32> to vector<16xi32>
      %swap3A_409 = vector.shape_cast %add3A_402 : vector<16xi32> to vector<1x16xi32>
      tpu.vector_store %arg9[%swap3A_405, %swap3A_406], %swap3A_409 {strides = array<i32>} : memref<104x128xi32, #tpu.memory_space<vmem>>, vector<1x16xi32>,
      %add3A_410 = arith.constant 3 : i32
      %add3A_411 = vector.broadcast %add3A_410 : i32 to vector<16xi32>
      %add3A_412 = arith.addi %add3A_375, %add3A_411 : vector<16xi32>
      %add3A_413 = arith.constant 78 : i32
      %add3A_414 = arith.addi %add3A_413, %shift_right_logical3A_377 : i32
      %swap3A_415 = arith.index_cast %add3A_414 : i32 to index
      %swap3A_416 = arith.index_cast %mul3A_380 : i32 to index
      %swap3A_417 = tpu.vector_load %arg9[%swap3A_415, %swap3A_416] {strides = array<i32>} : memref<104x128xi32, #tpu.memory_space<vmem>>, vector<1x16xi32>,
      %swap3A_418 = vector.shape_cast %swap3A_417 : vector<1x16xi32> to vector<16xi32>
      %swap3A_419 = vector.shape_cast %add3A_412 : vector<16xi32> to vector<1x16xi32>
      tpu.vector_store %arg9[%swap3A_415, %swap3A_416], %swap3A_419 {strides = array<i32>} : memref<104x128xi32, #tpu.memory_space<vmem>>, vector<1x16xi32>,
    }
    %scan3A_50 = arith.constant 208 : i32
    %dma_wait3A = arith.constant 0 : i32
    %dma_wait3A_51 = arith.constant 0 : i32
    %dma_wait3A_52 = arith.constant 0 : i32
    %dma_wait3A_53 = tpu.memref_slice %arg7[%dma_wait3A_51, %dma_wait3A_52] : memref<4x3328xi32, #tpu.memory_space<vmem>> -> memref<1x3328xi32, #tpu.memory_space<vmem>>
    %dma_wait3A_54 = tpu.memref_squeeze %dma_wait3A_53 : memref<1x3328xi32, #tpu.memory_space<vmem>> -> memref<3328xi32, #tpu.memory_space<vmem>>
    %dma_wait3A_55 = arith.constant 0 : i32
    %dma_wait3A_56 = tpu.memref_slice %arg3[%dma_wait3A, %dma_wait3A_55] : memref<4x1040000xi32, #tpu.memory_space<hbm>> -> memref<1x1040000xi32, #tpu.memory_space<hbm>>
    %dma_wait3A_57 = tpu.memref_squeeze %dma_wait3A_56 : memref<1x1040000xi32, #tpu.memory_space<hbm>> -> memref<1040000xi32, #tpu.memory_space<hbm>>
    %dma_wait3A_58 = arith.constant 0 : i32
    %dma_wait3A_59 = tpu.memref_slice %dma_wait3A_57[%dma_wait3A_58] : memref<1040000xi32, #tpu.memory_space<hbm>> -> memref<1040000xi32, #tpu.memory_space<hbm>>
    tpu.wait_indirect_dma semaphore(%arg11 : memref<!tpu.dma_semaphore, #tpu.memory_space<semaphore_mem>>) src(%dma_wait3A_59 : memref<1040000xi32, #tpu.memory_space<hbm>>) dst(%dma_wait3A_54 : memref<3328xi32, #tpu.memory_space<vmem>>)
    %scan3A_60 = arith.constant 0 : i32
    %scan3A_61 = arith.constant 208 : i32
    %scan3A_62 = arith.addi %scan3A_60, %scan3A_61 : i32
    %scan3A_63 = arith.constant 1 : i32
    scf.for %scan3A_350 = %scan3A_60 to %scan3A_62 step %scan3A_63  : i32 {
      %mul3A_351 = arith.constant 16 : i32
      %mul3A_352 = arith.muli %mul3A_351, %scan3A_350 : i32
      %add3A_353 = arith.addi %mul3A_2, %mul3A_352 : i32
      %add3A_354 = vector.broadcast %add3A_353 : i32 to vector<16xi32>
      %add3A_355 = arith.addi %add3A_354, %iota3A : vector<16xi32>
      %mul3A_356 = arith.constant 16 : i32
      %mul3A_357 = arith.muli %scan3A_350, %mul3A_356 : i32
      %get3A = arith.constant 0 : i32
      %get3A_358 = arith.index_cast %get3A : i32 to index
      %get3A_359 = arith.index_cast %mul3A_357 : i32 to index
      %get3A_360 = tpu.vector_load %arg7[%get3A_358, %get3A_359] {strides = array<i32>} : memref<4x3328xi32, #tpu.memory_space<vmem>>, vector<1x16xi32>,
      %get3A_361 = vector.shape_cast %get3A_360 : vector<1x16xi32> to vector<16xi32>
      %shift_left3A = arith.constant 2 : i32
      %shift_left3A_362 = vector.broadcast %shift_left3A : i32 to vector<16xi32>
      %shift_left3A_363 = arith.shli %get3A_361, %shift_left3A_362 : vector<16xi32>
      %not3A = arith.constant 4095 : i32
      %not3A_364 = arith.constant -1 : i32
      %not3A_365 = arith.xori %not3A, %not3A_364 : i32
      %and3A = vector.broadcast %not3A_365 : i32 to vector<16xi32>
      %and3A_366 = arith.andi %add3A_355, %and3A : vector<16xi32>
      %add3A_367 = arith.addi %shift_left3A_363, %and3A_366 : vector<16xi32>
      %add3A_368 = arith.constant 0 : i32
      %add3A_369 = vector.broadcast %add3A_368 : i32 to vector<16xi32>
      %add3A_370 = arith.addi %add3A_367, %add3A_369 : vector<16xi32>
      %mul3A_371 = arith.constant 16 : i32
      %mul3A_372 = arith.muli %scan3A_350, %mul3A_371 : i32
      %add3A_373 = arith.constant 0 : i32
      %add3A_374 = arith.addi %add3A_373, %mul3A_372 : i32
      %swap3A = arith.index_cast %add3A_374 : i32 to index
      %swap3A_375 = tpu.vector_load %arg8[%swap3A] {strides = array<i32>} : memref<13312xi32, #tpu.memory_space<vmem>>, vector<16xi32>,
      %swap3A_376 = vector.shape_cast %swap3A_375 : vector<16xi32> to vector<16xi32>
      %swap3A_377 = vector.shape_cast %add3A_370 : vector<16xi32> to vector<16xi32>
      tpu.vector_store %arg8[%swap3A], %swap3A_377 {strides = array<i32>} : memref<13312xi32, #tpu.memory_space<vmem>>, vector<16xi32>,
    }
    %scan3A_64 = arith.constant 208 : i32
    %dma_start3A_65 = arith.constant 0 : i32
    %dma_start3A_66 = arith.constant 0 : i32
    %dma_start3A_67 = arith.constant 0 : i32
    %dma_start3A_68 = tpu.memref_slice %arg10[%dma_start3A_65, %dma_start3A_66, %dma_start3A_67] : memref<2x1664x16xf32, #tpu.memory_space<vmem>> -> memref<1x1664x16xf32, #tpu.memory_space<vmem>>
    %dma_start3A_69 = tpu.memref_squeeze %dma_start3A_68 : memref<1x1664x16xf32, #tpu.memory_space<vmem>> -> memref<1664x16xf32, #tpu.memory_space<vmem>>
    %dma_start3A_70 = arith.constant 0 : i32
    %dma_start3A_71 = tpu.memref_slice %arg8[%dma_start3A_70] : memref<13312xi32, #tpu.memory_space<vmem>> -> memref<1664xi32, #tpu.memory_space<vmem>>
    %dma_start3A_72 = arith.constant 0 : i32
    %dma_start3A_73 = arith.constant 0 : i32
    %dma_start3A_74 = tpu.memref_slice %arg4[%dma_start3A_72, %dma_start3A_73] : memref<106496x16xf32, #tpu.memory_space<hbm>> -> memref<106496x16xf32, #tpu.memory_space<hbm>>
    tpu.enqueue_indirect_dma source(%dma_start3A_74 : memref<106496x16xf32, #tpu.memory_space<hbm>>) target(%dma_start3A_69 : memref<1664x16xf32, #tpu.memory_space<vmem>>) offsets(%dma_start3A_71 : memref<1664xi32, #tpu.memory_space<vmem>>) semaphore(%arg12 : memref<!tpu.dma_semaphore, #tpu.memory_space<semaphore_mem>>)
    %dma_wait3A_75 = arith.constant 0 : i32
    %dma_wait3A_76 = arith.constant 0 : i32
    %dma_wait3A_77 = arith.constant 0 : i32
    %dma_wait3A_78 = tpu.memref_slice %arg10[%dma_wait3A_75, %dma_wait3A_76, %dma_wait3A_77] : memref<2x1664x16xf32, #tpu.memory_space<vmem>> -> memref<1x1664x16xf32, #tpu.memory_space<vmem>>
    %dma_wait3A_79 = tpu.memref_squeeze %dma_wait3A_78 : memref<1x1664x16xf32, #tpu.memory_space<vmem>> -> memref<1664x16xf32, #tpu.memory_space<vmem>>
    %dma_wait3A_80 = arith.constant 0 : i32
    %dma_wait3A_81 = tpu.memref_slice %arg8[%dma_wait3A_80] : memref<13312xi32, #tpu.memory_space<vmem>> -> memref<1664xi32, #tpu.memory_space<vmem>>
    %dma_wait3A_82 = arith.constant 0 : i32
    %dma_wait3A_83 = arith.constant 0 : i32
    %dma_wait3A_84 = tpu.memref_slice %arg4[%dma_wait3A_82, %dma_wait3A_83] : memref<106496x16xf32, #tpu.memory_space<hbm>> -> memref<106496x16xf32, #tpu.memory_space<hbm>>
    tpu.wait_indirect_dma semaphore(%arg12 : memref<!tpu.dma_semaphore, #tpu.memory_space<semaphore_mem>>) src(%dma_wait3A_84 : memref<106496x16xf32, #tpu.memory_space<hbm>>) dst(%dma_wait3A_79 : memref<1664x16xf32, #tpu.memory_space<vmem>>)
    %scan3A_85 = arith.constant 0 : i32
    %scan3A_86 = arith.constant 13 : i32
    %scan3A_87 = arith.addi %scan3A_85, %scan3A_86 : i32
    %scan3A_88 = arith.constant 1 : i32
    scf.for %scan3A_350 = %scan3A_85 to %scan3A_87 step %scan3A_88  : i32 {
      %mul3A_351 = arith.constant 128 : i32
      %mul3A_352 = arith.muli %scan3A_350, %mul3A_351 : i32
      %add3A_353 = arith.constant 0 : i32
      %add3A_354 = arith.addi %add3A_353, %scan3A_350 : i32
      %dma_start3A_355 = arith.constant 0 : i32
      %dma_start3A_356 = arith.constant 0 : i32
      %dma_start3A_357 = arith.constant 0 : i32
      %dma_start3A_358 = tpu.memref_slice %arg10[%dma_start3A_355, %dma_start3A_356, %dma_start3A_357] : memref<2x1664x16xf32, #tpu.memory_space<vmem>> -> memref<1x1664x16xf32, #tpu.memory_space<vmem>>
      %dma_start3A_359 = tpu.memref_squeeze %dma_start3A_358 : memref<1x1664x16xf32, #tpu.memory_space<vmem>> -> memref<1664x16xf32, #tpu.memory_space<vmem>>
      %dma_start3A_360 = arith.constant 0 : i32
      %dma_start3A_361 = tpu.memref_slice %dma_start3A_359[%mul3A_352, %dma_start3A_360] : memref<1664x16xf32, #tpu.memory_space<vmem>> -> memref<128x16xf32, #tpu.memory_space<vmem>>
      %dma_start3A_362 = arith.constant 0 : i32
      %dma_start3A_363 = tpu.memref_slice %arg9[%add3A_354, %dma_start3A_362] : memref<104x128xi32, #tpu.memory_space<vmem>> -> memref<1x128xi32, #tpu.memory_space<vmem>>
      %dma_start3A_364 = tpu.memref_squeeze %dma_start3A_363 : memref<1x128xi32, #tpu.memory_space<vmem>> -> memref<128xi32, #tpu.memory_space<vmem>>
      %dma_start3A_365 = arith.constant 0 : i32
      %dma_start3A_366 = arith.constant 0 : i32
      %dma_start3A_367 = tpu.memref_slice %arg5[%dma_start3A_365, %dma_start3A_366] : memref<425984x16xf32, #tpu.memory_space<hbm>> -> memref<425984x16xf32, #tpu.memory_space<hbm>>
      tpu.enqueue_indirect_dma source(%dma_start3A_361 : memref<128x16xf32, #tpu.memory_space<vmem>>) target(%dma_start3A_367 : memref<425984x16xf32, #tpu.memory_space<hbm>>) offsets(%dma_start3A_364 : memref<128xi32, #tpu.memory_space<vmem>>) semaphore(%arg13 : memref<!tpu.dma_semaphore, #tpu.memory_space<semaphore_mem>>)
    }
    %scan3A_89 = arith.constant 13 : i32
    %dma_start3A_90 = arith.constant 1 : i32
    %dma_start3A_91 = arith.constant 0 : i32
    %dma_start3A_92 = arith.constant 0 : i32
    %dma_start3A_93 = tpu.memref_slice %arg10[%dma_start3A_90, %dma_start3A_91, %dma_start3A_92] : memref<2x1664x16xf32, #tpu.memory_space<vmem>> -> memref<1x1664x16xf32, #tpu.memory_space<vmem>>
    %dma_start3A_94 = tpu.memref_squeeze %dma_start3A_93 : memref<1x1664x16xf32, #tpu.memory_space<vmem>> -> memref<1664x16xf32, #tpu.memory_space<vmem>>
    %dma_start3A_95 = arith.constant 1664 : i32
    %dma_start3A_96 = tpu.memref_slice %arg8[%dma_start3A_95] : memref<13312xi32, #tpu.memory_space<vmem>> -> memref<1664xi32, #tpu.memory_space<vmem>>
    %dma_start3A_97 = arith.constant 0 : i32
    %dma_start3A_98 = arith.constant 0 : i32
    %dma_start3A_99 = tpu.memref_slice %arg4[%dma_start3A_97, %dma_start3A_98] : memref<106496x16xf32, #tpu.memory_space<hbm>> -> memref<106496x16xf32, #tpu.memory_space<hbm>>
    tpu.enqueue_indirect_dma source(%dma_start3A_99 : memref<106496x16xf32, #tpu.memory_space<hbm>>) target(%dma_start3A_94 : memref<1664x16xf32, #tpu.memory_space<vmem>>) offsets(%dma_start3A_96 : memref<1664xi32, #tpu.memory_space<vmem>>) semaphore(%arg12 : memref<!tpu.dma_semaphore, #tpu.memory_space<semaphore_mem>>)
    %dma_wait3A_100 = arith.constant 1 : i32
    %dma_wait3A_101 = arith.constant 1 : i32
    %dma_wait3A_102 = arith.constant 0 : i32
    %dma_wait3A_103 = tpu.memref_slice %arg7[%dma_wait3A_101, %dma_wait3A_102] : memref<4x3328xi32, #tpu.memory_space<vmem>> -> memref<1x3328xi32, #tpu.memory_space<vmem>>
    %dma_wait3A_104 = tpu.memref_squeeze %dma_wait3A_103 : memref<1x3328xi32, #tpu.memory_space<vmem>> -> memref<3328xi32, #tpu.memory_space<vmem>>
    %dma_wait3A_105 = arith.constant 0 : i32
    %dma_wait3A_106 = tpu.memref_slice %arg3[%dma_wait3A_100, %dma_wait3A_105] : memref<4x1040000xi32, #tpu.memory_space<hbm>> -> memref<1x1040000xi32, #tpu.memory_space<hbm>>
    %dma_wait3A_107 = tpu.memref_squeeze %dma_wait3A_106 : memref<1x1040000xi32, #tpu.memory_space<hbm>> -> memref<1040000xi32, #tpu.memory_space<hbm>>
    %dma_wait3A_108 = arith.constant 0 : i32
    %dma_wait3A_109 = tpu.memref_slice %dma_wait3A_107[%dma_wait3A_108] : memref<1040000xi32, #tpu.memory_space<hbm>> -> memref<1040000xi32, #tpu.memory_space<hbm>>
    tpu.wait_indirect_dma semaphore(%arg11 : memref<!tpu.dma_semaphore, #tpu.memory_space<semaphore_mem>>) src(%dma_wait3A_109 : memref<1040000xi32, #tpu.memory_space<hbm>>) dst(%dma_wait3A_104 : memref<3328xi32, #tpu.memory_space<vmem>>)
    %scan3A_110 = arith.constant 0 : i32
    %scan3A_111 = arith.constant 208 : i32
    %scan3A_112 = arith.addi %scan3A_110, %scan3A_111 : i32
    %scan3A_113 = arith.constant 1 : i32
    scf.for %scan3A_350 = %scan3A_110 to %scan3A_112 step %scan3A_113  : i32 {
      %mul3A_351 = arith.constant 16 : i32
      %mul3A_352 = arith.muli %mul3A_351, %scan3A_350 : i32
      %add3A_353 = arith.addi %mul3A_2, %mul3A_352 : i32
      %add3A_354 = vector.broadcast %add3A_353 : i32 to vector<16xi32>
      %add3A_355 = arith.addi %add3A_354, %iota3A : vector<16xi32>
      %mul3A_356 = arith.constant 16 : i32
      %mul3A_357 = arith.muli %scan3A_350, %mul3A_356 : i32
      %get3A = arith.constant 1 : i32
      %get3A_358 = arith.index_cast %get3A : i32 to index
      %get3A_359 = arith.index_cast %mul3A_357 : i32 to index
      %get3A_360 = tpu.vector_load %arg7[%get3A_358, %get3A_359] {strides = array<i32>} : memref<4x3328xi32, #tpu.memory_space<vmem>>, vector<1x16xi32>,
      %get3A_361 = vector.shape_cast %get3A_360 : vector<1x16xi32> to vector<16xi32>
      %shift_left3A = arith.constant 2 : i32
      %shift_left3A_362 = vector.broadcast %shift_left3A : i32 to vector<16xi32>
      %shift_left3A_363 = arith.shli %get3A_361, %shift_left3A_362 : vector<16xi32>
      %not3A = arith.constant 4095 : i32
      %not3A_364 = arith.constant -1 : i32
      %not3A_365 = arith.xori %not3A, %not3A_364 : i32
      %and3A = vector.broadcast %not3A_365 : i32 to vector<16xi32>
      %and3A_366 = arith.andi %add3A_355, %and3A : vector<16xi32>
      %add3A_367 = arith.addi %shift_left3A_363, %and3A_366 : vector<16xi32>
      %add3A_368 = arith.constant 1 : i32
      %add3A_369 = vector.broadcast %add3A_368 : i32 to vector<16xi32>
      %add3A_370 = arith.addi %add3A_367, %add3A_369 : vector<16xi32>
      %mul3A_371 = arith.constant 16 : i32
      %mul3A_372 = arith.muli %scan3A_350, %mul3A_371 : i32
      %add3A_373 = arith.constant 3328 : i32
      %add3A_374 = arith.addi %add3A_373, %mul3A_372 : i32
      %swap3A = arith.index_cast %add3A_374 : i32 to index
      %swap3A_375 = tpu.vector_load %arg8[%swap3A] {strides = array<i32>} : memref<13312xi32, #tpu.memory_space<vmem>>, vector<16xi32>,
      %swap3A_376 = vector.shape_cast %swap3A_375 : vector<16xi32> to vector<16xi32>
      %swap3A_377 = vector.shape_cast %add3A_370 : vector<16xi32> to vector<16xi32>
      tpu.vector_store %arg8[%swap3A], %swap3A_377 {strides = array<i32>} : memref<13312xi32, #tpu.memory_space<vmem>>, vector<16xi32>,
    }
    %scan3A_114 = arith.constant 208 : i32
    %dma_wait3A_115 = arith.constant 1 : i32
    %dma_wait3A_116 = arith.constant 0 : i32
    %dma_wait3A_117 = arith.constant 0 : i32
    %dma_wait3A_118 = tpu.memref_slice %arg10[%dma_wait3A_115, %dma_wait3A_116, %dma_wait3A_117] : memref<2x1664x16xf32, #tpu.memory_space<vmem>> -> memref<1x1664x16xf32, #tpu.memory_space<vmem>>
    %dma_wait3A_119 = tpu.memref_squeeze %dma_wait3A_118 : memref<1x1664x16xf32, #tpu.memory_space<vmem>> -> memref<1664x16xf32, #tpu.memory_space<vmem>>
    %dma_wait3A_120 = arith.constant 1664 : i32
    %dma_wait3A_121 = tpu.memref_slice %arg8[%dma_wait3A_120] : memref<13312xi32, #tpu.memory_space<vmem>> -> memref<1664xi32, #tpu.memory_space<vmem>>
    %dma_wait3A_122 = arith.constant 0 : i32
    %dma_wait3A_123 = arith.constant 0 : i32
    %dma_wait3A_124 = tpu.memref_slice %arg4[%dma_wait3A_122, %dma_wait3A_123] : memref<106496x16xf32, #tpu.memory_space<hbm>> -> memref<106496x16xf32, #tpu.memory_space<hbm>>
    tpu.wait_indirect_dma semaphore(%arg12 : memref<!tpu.dma_semaphore, #tpu.memory_space<semaphore_mem>>) src(%dma_wait3A_124 : memref<106496x16xf32, #tpu.memory_space<hbm>>) dst(%dma_wait3A_119 : memref<1664x16xf32, #tpu.memory_space<vmem>>)
    %scan3A_125 = arith.constant 0 : i32
    %scan3A_126 = arith.constant 13 : i32
    %scan3A_127 = arith.addi %scan3A_125, %scan3A_126 : i32
    %scan3A_128 = arith.constant 1 : i32
    scf.for %scan3A_350 = %scan3A_125 to %scan3A_127 step %scan3A_128  : i32 {
      %mul3A_351 = arith.constant 128 : i32
      %mul3A_352 = arith.muli %scan3A_350, %mul3A_351 : i32
      %add3A_353 = arith.constant 13 : i32
      %add3A_354 = arith.addi %add3A_353, %scan3A_350 : i32
      %dma_start3A_355 = arith.constant 1 : i32
      %dma_start3A_356 = arith.constant 0 : i32
      %dma_start3A_357 = arith.constant 0 : i32
      %dma_start3A_358 = tpu.memref_slice %arg10[%dma_start3A_355, %dma_start3A_356, %dma_start3A_357] : memref<2x1664x16xf32, #tpu.memory_space<vmem>> -> memref<1x1664x16xf32, #tpu.memory_space<vmem>>
      %dma_start3A_359 = tpu.memref_squeeze %dma_start3A_358 : memref<1x1664x16xf32, #tpu.memory_space<vmem>> -> memref<1664x16xf32, #tpu.memory_space<vmem>>
      %dma_start3A_360 = arith.constant 0 : i32
      %dma_start3A_361 = tpu.memref_slice %dma_start3A_359[%mul3A_352, %dma_start3A_360] : memref<1664x16xf32, #tpu.memory_space<vmem>> -> memref<128x16xf32, #tpu.memory_space<vmem>>
      %dma_start3A_362 = arith.constant 0 : i32
      %dma_start3A_363 = tpu.memref_slice %arg9[%add3A_354, %dma_start3A_362] : memref<104x128xi32, #tpu.memory_space<vmem>> -> memref<1x128xi32, #tpu.memory_space<vmem>>
      %dma_start3A_364 = tpu.memref_squeeze %dma_start3A_363 : memref<1x128xi32, #tpu.memory_space<vmem>> -> memref<128xi32, #tpu.memory_space<vmem>>
      %dma_start3A_365 = arith.constant 0 : i32
      %dma_start3A_366 = arith.constant 0 : i32
      %dma_start3A_367 = tpu.memref_slice %arg5[%dma_start3A_365, %dma_start3A_366] : memref<425984x16xf32, #tpu.memory_space<hbm>> -> memref<425984x16xf32, #tpu.memory_space<hbm>>
      tpu.enqueue_indirect_dma source(%dma_start3A_361 : memref<128x16xf32, #tpu.memory_space<vmem>>) target(%dma_start3A_367 : memref<425984x16xf32, #tpu.memory_space<hbm>>) offsets(%dma_start3A_364 : memref<128xi32, #tpu.memory_space<vmem>>) semaphore(%arg14 : memref<!tpu.dma_semaphore, #tpu.memory_space<semaphore_mem>>)
    }
    %scan3A_129 = arith.constant 13 : i32
    %scan3A_130 = arith.constant 0 : i32
    %scan3A_131 = arith.constant 13 : i32
    %scan3A_132 = arith.addi %scan3A_130, %scan3A_131 : i32
    %scan3A_133 = arith.constant 1 : i32
    scf.for %scan3A_350 = %scan3A_130 to %scan3A_132 step %scan3A_133  : i32 {
      %mul3A_351 = arith.constant 128 : i32
      %mul3A_352 = arith.muli %scan3A_350, %mul3A_351 : i32
      %add3A_353 = arith.constant 0 : i32
      %add3A_354 = arith.addi %add3A_353, %scan3A_350 : i32
      %dma_wait3A_355 = arith.constant 0 : i32
      %dma_wait3A_356 = arith.constant 0 : i32
      %dma_wait3A_357 = arith.constant 0 : i32
      %dma_wait3A_358 = tpu.memref_slice %arg10[%dma_wait3A_355, %dma_wait3A_356, %dma_wait3A_357] : memref<2x1664x16xf32, #tpu.memory_space<vmem>> -> memref<1x1664x16xf32, #tpu.memory_space<vmem>>
      %dma_wait3A_359 = tpu.memref_squeeze %dma_wait3A_358 : memref<1x1664x16xf32, #tpu.memory_space<vmem>> -> memref<1664x16xf32, #tpu.memory_space<vmem>>
      %dma_wait3A_360 = arith.constant 0 : i32
      %dma_wait3A_361 = tpu.memref_slice %dma_wait3A_359[%mul3A_352, %dma_wait3A_360] : memref<1664x16xf32, #tpu.memory_space<vmem>> -> memref<128x16xf32, #tpu.memory_space<vmem>>
      %dma_wait3A_362 = arith.constant 0 : i32
      %dma_wait3A_363 = tpu.memref_slice %arg9[%add3A_354, %dma_wait3A_362] : memref<104x128xi32, #tpu.memory_space<vmem>> -> memref<1x128xi32, #tpu.memory_space<vmem>>
      %dma_wait3A_364 = tpu.memref_squeeze %dma_wait3A_363 : memref<1x128xi32, #tpu.memory_space<vmem>> -> memref<128xi32, #tpu.memory_space<vmem>>
      %dma_wait3A_365 = arith.constant 0 : i32
      %dma_wait3A_366 = arith.constant 0 : i32
      %dma_wait3A_367 = tpu.memref_slice %arg5[%dma_wait3A_365, %dma_wait3A_366] : memref<425984x16xf32, #tpu.memory_space<hbm>> -> memref<425984x16xf32, #tpu.memory_space<hbm>>
      tpu.wait_indirect_dma semaphore(%arg13 : memref<!tpu.dma_semaphore, #tpu.memory_space<semaphore_mem>>) src(%dma_wait3A_361 : memref<128x16xf32, #tpu.memory_space<vmem>>) dst(%dma_wait3A_367 : memref<425984x16xf32, #tpu.memory_space<hbm>>)
    }
    %scan3A_134 = arith.constant 13 : i32
    %dma_start3A_135 = arith.constant 0 : i32
    %dma_start3A_136 = arith.constant 0 : i32
    %dma_start3A_137 = arith.constant 0 : i32
    %dma_start3A_138 = tpu.memref_slice %arg10[%dma_start3A_135, %dma_start3A_136, %dma_start3A_137] : memref<2x1664x16xf32, #tpu.memory_space<vmem>> -> memref<1x1664x16xf32, #tpu.memory_space<vmem>>
    %dma_start3A_139 = tpu.memref_squeeze %dma_start3A_138 : memref<1x1664x16xf32, #tpu.memory_space<vmem>> -> memref<1664x16xf32, #tpu.memory_space<vmem>>
    %dma_start3A_140 = arith.constant 3328 : i32
    %dma_start3A_141 = tpu.memref_slice %arg8[%dma_start3A_140] : memref<13312xi32, #tpu.memory_space<vmem>> -> memref<1664xi32, #tpu.memory_space<vmem>>
    %dma_start3A_142 = arith.constant 0 : i32
    %dma_start3A_143 = arith.constant 0 : i32
    %dma_start3A_144 = tpu.memref_slice %arg4[%dma_start3A_142, %dma_start3A_143] : memref<106496x16xf32, #tpu.memory_space<hbm>> -> memref<106496x16xf32, #tpu.memory_space<hbm>>
    tpu.enqueue_indirect_dma source(%dma_start3A_144 : memref<106496x16xf32, #tpu.memory_space<hbm>>) target(%dma_start3A_139 : memref<1664x16xf32, #tpu.memory_space<vmem>>) offsets(%dma_start3A_141 : memref<1664xi32, #tpu.memory_space<vmem>>) semaphore(%arg12 : memref<!tpu.dma_semaphore, #tpu.memory_space<semaphore_mem>>)
    %dma_wait3A_145 = arith.constant 0 : i32
    %dma_wait3A_146 = arith.constant 0 : i32
    %dma_wait3A_147 = arith.constant 0 : i32
    %dma_wait3A_148 = tpu.memref_slice %arg10[%dma_wait3A_145, %dma_wait3A_146, %dma_wait3A_147] : memref<2x1664x16xf32, #tpu.memory_space<vmem>> -> memref<1x1664x16xf32, #tpu.memory_space<vmem>>
    %dma_wait3A_149 = tpu.memref_squeeze %dma_wait3A_148 : memref<1x1664x16xf32, #tpu.memory_space<vmem>> -> memref<1664x16xf32, #tpu.memory_space<vmem>>
    %dma_wait3A_150 = arith.constant 3328 : i32
    %dma_wait3A_151 = tpu.memref_slice %arg8[%dma_wait3A_150] : memref<13312xi32, #tpu.memory_space<vmem>> -> memref<1664xi32, #tpu.memory_space<vmem>>
    %dma_wait3A_152 = arith.constant 0 : i32
    %dma_wait3A_153 = arith.constant 0 : i32
    %dma_wait3A_154 = tpu.memref_slice %arg4[%dma_wait3A_152, %dma_wait3A_153] : memref<106496x16xf32, #tpu.memory_space<hbm>> -> memref<106496x16xf32, #tpu.memory_space<hbm>>
    tpu.wait_indirect_dma semaphore(%arg12 : memref<!tpu.dma_semaphore, #tpu.memory_space<semaphore_mem>>) src(%dma_wait3A_154 : memref<106496x16xf32, #tpu.memory_space<hbm>>) dst(%dma_wait3A_149 : memref<1664x16xf32, #tpu.memory_space<vmem>>)
    %scan3A_155 = arith.constant 0 : i32
    %scan3A_156 = arith.constant 13 : i32
    %scan3A_157 = arith.addi %scan3A_155, %scan3A_156 : i32
    %scan3A_158 = arith.constant 1 : i32
    scf.for %scan3A_350 = %scan3A_155 to %scan3A_157 step %scan3A_158  : i32 {
      %mul3A_351 = arith.constant 128 : i32
      %mul3A_352 = arith.muli %scan3A_350, %mul3A_351 : i32
      %add3A_353 = arith.constant 26 : i32
      %add3A_354 = arith.addi %add3A_353, %scan3A_350 : i32
      %dma_start3A_355 = arith.constant 0 : i32
      %dma_start3A_356 = arith.constant 0 : i32
      %dma_start3A_357 = arith.constant 0 : i32
      %dma_start3A_358 = tpu.memref_slice %arg10[%dma_start3A_355, %dma_start3A_356, %dma_start3A_357] : memref<2x1664x16xf32, #tpu.memory_space<vmem>> -> memref<1x1664x16xf32, #tpu.memory_space<vmem>>
      %dma_start3A_359 = tpu.memref_squeeze %dma_start3A_358 : memref<1x1664x16xf32, #tpu.memory_space<vmem>> -> memref<1664x16xf32, #tpu.memory_space<vmem>>
      %dma_start3A_360 = arith.constant 0 : i32
      %dma_start3A_361 = tpu.memref_slice %dma_start3A_359[%mul3A_352, %dma_start3A_360] : memref<1664x16xf32, #tpu.memory_space<vmem>> -> memref<128x16xf32, #tpu.memory_space<vmem>>
      %dma_start3A_362 = arith.constant 0 : i32
      %dma_start3A_363 = tpu.memref_slice %arg9[%add3A_354, %dma_start3A_362] : memref<104x128xi32, #tpu.memory_space<vmem>> -> memref<1x128xi32, #tpu.memory_space<vmem>>
      %dma_start3A_364 = tpu.memref_squeeze %dma_start3A_363 : memref<1x128xi32, #tpu.memory_space<vmem>> -> memref<128xi32, #tpu.memory_space<vmem>>
      %dma_start3A_365 = arith.constant 0 : i32
      %dma_start3A_366 = arith.constant 0 : i32
      %dma_start3A_367 = tpu.memref_slice %arg5[%dma_start3A_365, %dma_start3A_366] : memref<425984x16xf32, #tpu.memory_space<hbm>> -> memref<425984x16xf32, #tpu.memory_space<hbm>>
      tpu.enqueue_indirect_dma source(%dma_start3A_361 : memref<128x16xf32, #tpu.memory_space<vmem>>) target(%dma_start3A_367 : memref<425984x16xf32, #tpu.memory_space<hbm>>) offsets(%dma_start3A_364 : memref<128xi32, #tpu.memory_space<vmem>>) semaphore(%arg13 : memref<!tpu.dma_semaphore, #tpu.memory_space<semaphore_mem>>)
    }
    %scan3A_159 = arith.constant 13 : i32
    %scan3A_160 = arith.constant 0 : i32
    %scan3A_161 = arith.constant 13 : i32
    %scan3A_162 = arith.addi %scan3A_160, %scan3A_161 : i32
    %scan3A_163 = arith.constant 1 : i32
    scf.for %scan3A_350 = %scan3A_160 to %scan3A_162 step %scan3A_163  : i32 {
      %mul3A_351 = arith.constant 128 : i32
      %mul3A_352 = arith.muli %scan3A_350, %mul3A_351 : i32
      %add3A_353 = arith.constant 13 : i32
      %add3A_354 = arith.addi %add3A_353, %scan3A_350 : i32
      %dma_wait3A_355 = arith.constant 1 : i32
      %dma_wait3A_356 = arith.constant 0 : i32
      %dma_wait3A_357 = arith.constant 0 : i32
      %dma_wait3A_358 = tpu.memref_slice %arg10[%dma_wait3A_355, %dma_wait3A_356, %dma_wait3A_357] : memref<2x1664x16xf32, #tpu.memory_space<vmem>> -> memref<1x1664x16xf32, #tpu.memory_space<vmem>>
      %dma_wait3A_359 = tpu.memref_squeeze %dma_wait3A_358 : memref<1x1664x16xf32, #tpu.memory_space<vmem>> -> memref<1664x16xf32, #tpu.memory_space<vmem>>
      %dma_wait3A_360 = arith.constant 0 : i32
      %dma_wait3A_361 = tpu.memref_slice %dma_wait3A_359[%mul3A_352, %dma_wait3A_360] : memref<1664x16xf32, #tpu.memory_space<vmem>> -> memref<128x16xf32, #tpu.memory_space<vmem>>
      %dma_wait3A_362 = arith.constant 0 : i32
      %dma_wait3A_363 = tpu.memref_slice %arg9[%add3A_354, %dma_wait3A_362] : memref<104x128xi32, #tpu.memory_space<vmem>> -> memref<1x128xi32, #tpu.memory_space<vmem>>
      %dma_wait3A_364 = tpu.memref_squeeze %dma_wait3A_363 : memref<1x128xi32, #tpu.memory_space<vmem>> -> memref<128xi32, #tpu.memory_space<vmem>>
      %dma_wait3A_365 = arith.constant 0 : i32
      %dma_wait3A_366 = arith.constant 0 : i32
      %dma_wait3A_367 = tpu.memref_slice %arg5[%dma_wait3A_365, %dma_wait3A_366] : memref<425984x16xf32, #tpu.memory_space<hbm>> -> memref<425984x16xf32, #tpu.memory_space<hbm>>
      tpu.wait_indirect_dma semaphore(%arg14 : memref<!tpu.dma_semaphore, #tpu.memory_space<semaphore_mem>>) src(%dma_wait3A_361 : memref<128x16xf32, #tpu.memory_space<vmem>>) dst(%dma_wait3A_367 : memref<425984x16xf32, #tpu.memory_space<hbm>>)
    }
    %scan3A_164 = arith.constant 13 : i32
    %dma_start3A_165 = arith.constant 1 : i32
    %dma_start3A_166 = arith.constant 0 : i32
    %dma_start3A_167 = arith.constant 0 : i32
    %dma_start3A_168 = tpu.memref_slice %arg10[%dma_start3A_165, %dma_start3A_166, %dma_start3A_167] : memref<2x1664x16xf32, #tpu.memory_space<vmem>> -> memref<1x1664x16xf32, #tpu.memory_space<vmem>>
    %dma_start3A_169 = tpu.memref_squeeze %dma_start3A_168 : memref<1x1664x16xf32, #tpu.memory_space<vmem>> -> memref<1664x16xf32, #tpu.memory_space<vmem>>
    %dma_start3A_170 = arith.constant 4992 : i32
    %dma_start3A_171 = tpu.memref_slice %arg8[%dma_start3A_170] : memref<13312xi32, #tpu.memory_space<vmem>> -> memref<1664xi32, #tpu.memory_space<vmem>>
    %dma_start3A_172 = arith.constant 0 : i32
    %dma_start3A_173 = arith.constant 0 : i32
    %dma_start3A_174 = tpu.memref_slice %arg4[%dma_start3A_172, %dma_start3A_173] : memref<106496x16xf32, #tpu.memory_space<hbm>> -> memref<106496x16xf32, #tpu.memory_space<hbm>>
    tpu.enqueue_indirect_dma source(%dma_start3A_174 : memref<106496x16xf32, #tpu.memory_space<hbm>>) target(%dma_start3A_169 : memref<1664x16xf32, #tpu.memory_space<vmem>>) offsets(%dma_start3A_171 : memref<1664xi32, #tpu.memory_space<vmem>>) semaphore(%arg12 : memref<!tpu.dma_semaphore, #tpu.memory_space<semaphore_mem>>)
    %dma_wait3A_175 = arith.constant 2 : i32
    %dma_wait3A_176 = arith.constant 2 : i32
    %dma_wait3A_177 = arith.constant 0 : i32
    %dma_wait3A_178 = tpu.memref_slice %arg7[%dma_wait3A_176, %dma_wait3A_177] : memref<4x3328xi32, #tpu.memory_space<vmem>> -> memref<1x3328xi32, #tpu.memory_space<vmem>>
    %dma_wait3A_179 = tpu.memref_squeeze %dma_wait3A_178 : memref<1x3328xi32, #tpu.memory_space<vmem>> -> memref<3328xi32, #tpu.memory_space<vmem>>
    %dma_wait3A_180 = arith.constant 0 : i32
    %dma_wait3A_181 = tpu.memref_slice %arg3[%dma_wait3A_175, %dma_wait3A_180] : memref<4x1040000xi32, #tpu.memory_space<hbm>> -> memref<1x1040000xi32, #tpu.memory_space<hbm>>
    %dma_wait3A_182 = tpu.memref_squeeze %dma_wait3A_181 : memref<1x1040000xi32, #tpu.memory_space<hbm>> -> memref<1040000xi32, #tpu.memory_space<hbm>>
    %dma_wait3A_183 = arith.constant 0 : i32
    %dma_wait3A_184 = tpu.memref_slice %dma_wait3A_182[%dma_wait3A_183] : memref<1040000xi32, #tpu.memory_space<hbm>> -> memref<1040000xi32, #tpu.memory_space<hbm>>
    tpu.wait_indirect_dma semaphore(%arg11 : memref<!tpu.dma_semaphore, #tpu.memory_space<semaphore_mem>>) src(%dma_wait3A_184 : memref<1040000xi32, #tpu.memory_space<hbm>>) dst(%dma_wait3A_179 : memref<3328xi32, #tpu.memory_space<vmem>>)
    %scan3A_185 = arith.constant 0 : i32
    %scan3A_186 = arith.constant 208 : i32
    %scan3A_187 = arith.addi %scan3A_185, %scan3A_186 : i32
    %scan3A_188 = arith.constant 1 : i32
    scf.for %scan3A_350 = %scan3A_185 to %scan3A_187 step %scan3A_188  : i32 {
      %mul3A_351 = arith.constant 16 : i32
      %mul3A_352 = arith.muli %mul3A_351, %scan3A_350 : i32
      %add3A_353 = arith.addi %mul3A_2, %mul3A_352 : i32
      %add3A_354 = vector.broadcast %add3A_353 : i32 to vector<16xi32>
      %add3A_355 = arith.addi %add3A_354, %iota3A : vector<16xi32>
      %mul3A_356 = arith.constant 16 : i32
      %mul3A_357 = arith.muli %scan3A_350, %mul3A_356 : i32
      %get3A = arith.constant 2 : i32
      %get3A_358 = arith.index_cast %get3A : i32 to index
      %get3A_359 = arith.index_cast %mul3A_357 : i32 to index
      %get3A_360 = tpu.vector_load %arg7[%get3A_358, %get3A_359] {strides = array<i32>} : memref<4x3328xi32, #tpu.memory_space<vmem>>, vector<1x16xi32>,
      %get3A_361 = vector.shape_cast %get3A_360 : vector<1x16xi32> to vector<16xi32>
      %shift_left3A = arith.constant 2 : i32
      %shift_left3A_362 = vector.broadcast %shift_left3A : i32 to vector<16xi32>
      %shift_left3A_363 = arith.shli %get3A_361, %shift_left3A_362 : vector<16xi32>
      %not3A = arith.constant 4095 : i32
      %not3A_364 = arith.constant -1 : i32
      %not3A_365 = arith.xori %not3A, %not3A_364 : i32
      %and3A = vector.broadcast %not3A_365 : i32 to vector<16xi32>
      %and3A_366 = arith.andi %add3A_355, %and3A : vector<16xi32>
      %add3A_367 = arith.addi %shift_left3A_363, %and3A_366 : vector<16xi32>
      %add3A_368 = arith.constant 2 : i32
      %add3A_369 = vector.broadcast %add3A_368 : i32 to vector<16xi32>
      %add3A_370 = arith.addi %add3A_367, %add3A_369 : vector<16xi32>
      %mul3A_371 = arith.constant 16 : i32
      %mul3A_372 = arith.muli %scan3A_350, %mul3A_371 : i32
      %add3A_373 = arith.constant 6656 : i32
      %add3A_374 = arith.addi %add3A_373, %mul3A_372 : i32
      %swap3A = arith.index_cast %add3A_374 : i32 to index
      %swap3A_375 = tpu.vector_load %arg8[%swap3A] {strides = array<i32>} : memref<13312xi32, #tpu.memory_space<vmem>>, vector<16xi32>,
      %swap3A_376 = vector.shape_cast %swap3A_375 : vector<16xi32> to vector<16xi32>
      %swap3A_377 = vector.shape_cast %add3A_370 : vector<16xi32> to vector<16xi32>
      tpu.vector_store %arg8[%swap3A], %swap3A_377 {strides = array<i32>} : memref<13312xi32, #tpu.memory_space<vmem>>, vector<16xi32>,
    }
    %scan3A_189 = arith.constant 208 : i32
    %dma_wait3A_190 = arith.constant 1 : i32
    %dma_wait3A_191 = arith.constant 0 : i32
    %dma_wait3A_192 = arith.constant 0 : i32
    %dma_wait3A_193 = tpu.memref_slice %arg10[%dma_wait3A_190, %dma_wait3A_191, %dma_wait3A_192] : memref<2x1664x16xf32, #tpu.memory_space<vmem>> -> memref<1x1664x16xf32, #tpu.memory_space<vmem>>
    %dma_wait3A_194 = tpu.memref_squeeze %dma_wait3A_193 : memref<1x1664x16xf32, #tpu.memory_space<vmem>> -> memref<1664x16xf32, #tpu.memory_space<vmem>>
    %dma_wait3A_195 = arith.constant 4992 : i32
    %dma_wait3A_196 = tpu.memref_slice %arg8[%dma_wait3A_195] : memref<13312xi32, #tpu.memory_space<vmem>> -> memref<1664xi32, #tpu.memory_space<vmem>>
    %dma_wait3A_197 = arith.constant 0 : i32
    %dma_wait3A_198 = arith.constant 0 : i32
    %dma_wait3A_199 = tpu.memref_slice %arg4[%dma_wait3A_197, %dma_wait3A_198] : memref<106496x16xf32, #tpu.memory_space<hbm>> -> memref<106496x16xf32, #tpu.memory_space<hbm>>
    tpu.wait_indirect_dma semaphore(%arg12 : memref<!tpu.dma_semaphore, #tpu.memory_space<semaphore_mem>>) src(%dma_wait3A_199 : memref<106496x16xf32, #tpu.memory_space<hbm>>) dst(%dma_wait3A_194 : memref<1664x16xf32, #tpu.memory_space<vmem>>)
    %scan3A_200 = arith.constant 0 : i32
    %scan3A_201 = arith.constant 13 : i32
    %scan3A_202 = arith.addi %scan3A_200, %scan3A_201 : i32
    %scan3A_203 = arith.constant 1 : i32
    scf.for %scan3A_350 = %scan3A_200 to %scan3A_202 step %scan3A_203  : i32 {
      %mul3A_351 = arith.constant 128 : i32
      %mul3A_352 = arith.muli %scan3A_350, %mul3A_351 : i32
      %add3A_353 = arith.constant 39 : i32
      %add3A_354 = arith.addi %add3A_353, %scan3A_350 : i32
      %dma_start3A_355 = arith.constant 1 : i32
      %dma_start3A_356 = arith.constant 0 : i32
      %dma_start3A_357 = arith.constant 0 : i32
      %dma_start3A_358 = tpu.memref_slice %arg10[%dma_start3A_355, %dma_start3A_356, %dma_start3A_357] : memref<2x1664x16xf32, #tpu.memory_space<vmem>> -> memref<1x1664x16xf32, #tpu.memory_space<vmem>>
      %dma_start3A_359 = tpu.memref_squeeze %dma_start3A_358 : memref<1x1664x16xf32, #tpu.memory_space<vmem>> -> memref<1664x16xf32, #tpu.memory_space<vmem>>
      %dma_start3A_360 = arith.constant 0 : i32
      %dma_start3A_361 = tpu.memref_slice %dma_start3A_359[%mul3A_352, %dma_start3A_360] : memref<1664x16xf32, #tpu.memory_space<vmem>> -> memref<128x16xf32, #tpu.memory_space<vmem>>
      %dma_start3A_362 = arith.constant 0 : i32
      %dma_start3A_363 = tpu.memref_slice %arg9[%add3A_354, %dma_start3A_362] : memref<104x128xi32, #tpu.memory_space<vmem>> -> memref<1x128xi32, #tpu.memory_space<vmem>>
      %dma_start3A_364 = tpu.memref_squeeze %dma_start3A_363 : memref<1x128xi32, #tpu.memory_space<vmem>> -> memref<128xi32, #tpu.memory_space<vmem>>
      %dma_start3A_365 = arith.constant 0 : i32
      %dma_start3A_366 = arith.constant 0 : i32
      %dma_start3A_367 = tpu.memref_slice %arg5[%dma_start3A_365, %dma_start3A_366] : memref<425984x16xf32, #tpu.memory_space<hbm>> -> memref<425984x16xf32, #tpu.memory_space<hbm>>
      tpu.enqueue_indirect_dma source(%dma_start3A_361 : memref<128x16xf32, #tpu.memory_space<vmem>>) target(%dma_start3A_367 : memref<425984x16xf32, #tpu.memory_space<hbm>>) offsets(%dma_start3A_364 : memref<128xi32, #tpu.memory_space<vmem>>) semaphore(%arg14 : memref<!tpu.dma_semaphore, #tpu.memory_space<semaphore_mem>>)
    }
    %scan3A_204 = arith.constant 13 : i32
    %scan3A_205 = arith.constant 0 : i32
    %scan3A_206 = arith.constant 13 : i32
    %scan3A_207 = arith.addi %scan3A_205, %scan3A_206 : i32
    %scan3A_208 = arith.constant 1 : i32
    scf.for %scan3A_350 = %scan3A_205 to %scan3A_207 step %scan3A_208  : i32 {
      %mul3A_351 = arith.constant 128 : i32
      %mul3A_352 = arith.muli %scan3A_350, %mul3A_351 : i32
      %add3A_353 = arith.constant 26 : i32
      %add3A_354 = arith.addi %add3A_353, %scan3A_350 : i32
      %dma_wait3A_355 = arith.constant 0 : i32
      %dma_wait3A_356 = arith.constant 0 : i32
      %dma_wait3A_357 = arith.constant 0 : i32
      %dma_wait3A_358 = tpu.memref_slice %arg10[%dma_wait3A_355, %dma_wait3A_356, %dma_wait3A_357] : memref<2x1664x16xf32, #tpu.memory_space<vmem>> -> memref<1x1664x16xf32, #tpu.memory_space<vmem>>
      %dma_wait3A_359 = tpu.memref_squeeze %dma_wait3A_358 : memref<1x1664x16xf32, #tpu.memory_space<vmem>> -> memref<1664x16xf32, #tpu.memory_space<vmem>>
      %dma_wait3A_360 = arith.constant 0 : i32
      %dma_wait3A_361 = tpu.memref_slice %dma_wait3A_359[%mul3A_352, %dma_wait3A_360] : memref<1664x16xf32, #tpu.memory_space<vmem>> -> memref<128x16xf32, #tpu.memory_space<vmem>>
      %dma_wait3A_362 = arith.constant 0 : i32
      %dma_wait3A_363 = tpu.memref_slice %arg9[%add3A_354, %dma_wait3A_362] : memref<104x128xi32, #tpu.memory_space<vmem>> -> memref<1x128xi32, #tpu.memory_space<vmem>>
      %dma_wait3A_364 = tpu.memref_squeeze %dma_wait3A_363 : memref<1x128xi32, #tpu.memory_space<vmem>> -> memref<128xi32, #tpu.memory_space<vmem>>
      %dma_wait3A_365 = arith.constant 0 : i32
      %dma_wait3A_366 = arith.constant 0 : i32
      %dma_wait3A_367 = tpu.memref_slice %arg5[%dma_wait3A_365, %dma_wait3A_366] : memref<425984x16xf32, #tpu.memory_space<hbm>> -> memref<425984x16xf32, #tpu.memory_space<hbm>>
      tpu.wait_indirect_dma semaphore(%arg13 : memref<!tpu.dma_semaphore, #tpu.memory_space<semaphore_mem>>) src(%dma_wait3A_361 : memref<128x16xf32, #tpu.memory_space<vmem>>) dst(%dma_wait3A_367 : memref<425984x16xf32, #tpu.memory_space<hbm>>)
    }
    %scan3A_209 = arith.constant 13 : i32
    %dma_start3A_210 = arith.constant 0 : i32
    %dma_start3A_211 = arith.constant 0 : i32
    %dma_start3A_212 = arith.constant 0 : i32
    %dma_start3A_213 = tpu.memref_slice %arg10[%dma_start3A_210, %dma_start3A_211, %dma_start3A_212] : memref<2x1664x16xf32, #tpu.memory_space<vmem>> -> memref<1x1664x16xf32, #tpu.memory_space<vmem>>
    %dma_start3A_214 = tpu.memref_squeeze %dma_start3A_213 : memref<1x1664x16xf32, #tpu.memory_space<vmem>> -> memref<1664x16xf32, #tpu.memory_space<vmem>>
    %dma_start3A_215 = arith.constant 6656 : i32
    %dma_start3A_216 = tpu.memref_slice %arg8[%dma_start3A_215] : memref<13312xi32, #tpu.memory_space<vmem>> -> memref<1664xi32, #tpu.memory_space<vmem>>
    %dma_start3A_217 = arith.constant 0 : i32
    %dma_start3A_218 = arith.constant 0 : i32
    %dma_start3A_219 = tpu.memref_slice %arg4[%dma_start3A_217, %dma_start3A_218] : memref<106496x16xf32, #tpu.memory_space<hbm>> -> memref<106496x16xf32, #tpu.memory_space<hbm>>
    tpu.enqueue_indirect_dma source(%dma_start3A_219 : memref<106496x16xf32, #tpu.memory_space<hbm>>) target(%dma_start3A_214 : memref<1664x16xf32, #tpu.memory_space<vmem>>) offsets(%dma_start3A_216 : memref<1664xi32, #tpu.memory_space<vmem>>) semaphore(%arg12 : memref<!tpu.dma_semaphore, #tpu.memory_space<semaphore_mem>>)
    %dma_wait3A_220 = arith.constant 0 : i32
    %dma_wait3A_221 = arith.constant 0 : i32
    %dma_wait3A_222 = arith.constant 0 : i32
    %dma_wait3A_223 = tpu.memref_slice %arg10[%dma_wait3A_220, %dma_wait3A_221, %dma_wait3A_222] : memref<2x1664x16xf32, #tpu.memory_space<vmem>> -> memref<1x1664x16xf32, #tpu.memory_space<vmem>>
    %dma_wait3A_224 = tpu.memref_squeeze %dma_wait3A_223 : memref<1x1664x16xf32, #tpu.memory_space<vmem>> -> memref<1664x16xf32, #tpu.memory_space<vmem>>
    %dma_wait3A_225 = arith.constant 6656 : i32
    %dma_wait3A_226 = tpu.memref_slice %arg8[%dma_wait3A_225] : memref<13312xi32, #tpu.memory_space<vmem>> -> memref<1664xi32, #tpu.memory_space<vmem>>
    %dma_wait3A_227 = arith.constant 0 : i32
    %dma_wait3A_228 = arith.constant 0 : i32
    %dma_wait3A_229 = tpu.memref_slice %arg4[%dma_wait3A_227, %dma_wait3A_228] : memref<106496x16xf32, #tpu.memory_space<hbm>> -> memref<106496x16xf32, #tpu.memory_space<hbm>>
    tpu.wait_indirect_dma semaphore(%arg12 : memref<!tpu.dma_semaphore, #tpu.memory_space<semaphore_mem>>) src(%dma_wait3A_229 : memref<106496x16xf32, #tpu.memory_space<hbm>>) dst(%dma_wait3A_224 : memref<1664x16xf32, #tpu.memory_space<vmem>>)
    %scan3A_230 = arith.constant 0 : i32
    %scan3A_231 = arith.constant 13 : i32
    %scan3A_232 = arith.addi %scan3A_230, %scan3A_231 : i32
    %scan3A_233 = arith.constant 1 : i32
    scf.for %scan3A_350 = %scan3A_230 to %scan3A_232 step %scan3A_233  : i32 {
      %mul3A_351 = arith.constant 128 : i32
      %mul3A_352 = arith.muli %scan3A_350, %mul3A_351 : i32
      %add3A_353 = arith.constant 52 : i32
      %add3A_354 = arith.addi %add3A_353, %scan3A_350 : i32
      %dma_start3A_355 = arith.constant 0 : i32
      %dma_start3A_356 = arith.constant 0 : i32
      %dma_start3A_357 = arith.constant 0 : i32
      %dma_start3A_358 = tpu.memref_slice %arg10[%dma_start3A_355, %dma_start3A_356, %dma_start3A_357] : memref<2x1664x16xf32, #tpu.memory_space<vmem>> -> memref<1x1664x16xf32, #tpu.memory_space<vmem>>
      %dma_start3A_359 = tpu.memref_squeeze %dma_start3A_358 : memref<1x1664x16xf32, #tpu.memory_space<vmem>> -> memref<1664x16xf32, #tpu.memory_space<vmem>>
      %dma_start3A_360 = arith.constant 0 : i32
      %dma_start3A_361 = tpu.memref_slice %dma_start3A_359[%mul3A_352, %dma_start3A_360] : memref<1664x16xf32, #tpu.memory_space<vmem>> -> memref<128x16xf32, #tpu.memory_space<vmem>>
      %dma_start3A_362 = arith.constant 0 : i32
      %dma_start3A_363 = tpu.memref_slice %arg9[%add3A_354, %dma_start3A_362] : memref<104x128xi32, #tpu.memory_space<vmem>> -> memref<1x128xi32, #tpu.memory_space<vmem>>
      %dma_start3A_364 = tpu.memref_squeeze %dma_start3A_363 : memref<1x128xi32, #tpu.memory_space<vmem>> -> memref<128xi32, #tpu.memory_space<vmem>>
      %dma_start3A_365 = arith.constant 0 : i32
      %dma_start3A_366 = arith.constant 0 : i32
      %dma_start3A_367 = tpu.memref_slice %arg5[%dma_start3A_365, %dma_start3A_366] : memref<425984x16xf32, #tpu.memory_space<hbm>> -> memref<425984x16xf32, #tpu.memory_space<hbm>>
      tpu.enqueue_indirect_dma source(%dma_start3A_361 : memref<128x16xf32, #tpu.memory_space<vmem>>) target(%dma_start3A_367 : memref<425984x16xf32, #tpu.memory_space<hbm>>) offsets(%dma_start3A_364 : memref<128xi32, #tpu.memory_space<vmem>>) semaphore(%arg13 : memref<!tpu.dma_semaphore, #tpu.memory_space<semaphore_mem>>)
    }
    %scan3A_234 = arith.constant 13 : i32
    %scan3A_235 = arith.constant 0 : i32
    %scan3A_236 = arith.constant 13 : i32
    %scan3A_237 = arith.addi %scan3A_235, %scan3A_236 : i32
    %scan3A_238 = arith.constant 1 : i32
    scf.for %scan3A_350 = %scan3A_235 to %scan3A_237 step %scan3A_238  : i32 {
      %mul3A_351 = arith.constant 128 : i32
      %mul3A_352 = arith.muli %scan3A_350, %mul3A_351 : i32
      %add3A_353 = arith.constant 39 : i32
      %add3A_354 = arith.addi %add3A_353, %scan3A_350 : i32
      %dma_wait3A_355 = arith.constant 1 : i32
      %dma_wait3A_356 = arith.constant 0 : i32
      %dma_wait3A_357 = arith.constant 0 : i32
      %dma_wait3A_358 = tpu.memref_slice %arg10[%dma_wait3A_355, %dma_wait3A_356, %dma_wait3A_357] : memref<2x1664x16xf32, #tpu.memory_space<vmem>> -> memref<1x1664x16xf32, #tpu.memory_space<vmem>>
      %dma_wait3A_359 = tpu.memref_squeeze %dma_wait3A_358 : memref<1x1664x16xf32, #tpu.memory_space<vmem>> -> memref<1664x16xf32, #tpu.memory_space<vmem>>
      %dma_wait3A_360 = arith.constant 0 : i32
      %dma_wait3A_361 = tpu.memref_slice %dma_wait3A_359[%mul3A_352, %dma_wait3A_360] : memref<1664x16xf32, #tpu.memory_space<vmem>> -> memref<128x16xf32, #tpu.memory_space<vmem>>
      %dma_wait3A_362 = arith.constant 0 : i32
      %dma_wait3A_363 = tpu.memref_slice %arg9[%add3A_354, %dma_wait3A_362] : memref<104x128xi32, #tpu.memory_space<vmem>> -> memref<1x128xi32, #tpu.memory_space<vmem>>
      %dma_wait3A_364 = tpu.memref_squeeze %dma_wait3A_363 : memref<1x128xi32, #tpu.memory_space<vmem>> -> memref<128xi32, #tpu.memory_space<vmem>>
      %dma_wait3A_365 = arith.constant 0 : i32
      %dma_wait3A_366 = arith.constant 0 : i32
      %dma_wait3A_367 = tpu.memref_slice %arg5[%dma_wait3A_365, %dma_wait3A_366] : memref<425984x16xf32, #tpu.memory_space<hbm>> -> memref<425984x16xf32, #tpu.memory_space<hbm>>
      tpu.wait_indirect_dma semaphore(%arg14 : memref<!tpu.dma_semaphore, #tpu.memory_space<semaphore_mem>>) src(%dma_wait3A_361 : memref<128x16xf32, #tpu.memory_space<vmem>>) dst(%dma_wait3A_367 : memref<425984x16xf32, #tpu.memory_space<hbm>>)
    }
    %scan3A_239 = arith.constant 13 : i32
    %dma_start3A_240 = arith.constant 1 : i32
    %dma_start3A_241 = arith.constant 0 : i32
    %dma_start3A_242 = arith.constant 0 : i32
    %dma_start3A_243 = tpu.memref_slice %arg10[%dma_start3A_240, %dma_start3A_241, %dma_start3A_242] : memref<2x1664x16xf32, #tpu.memory_space<vmem>> -> memref<1x1664x16xf32, #tpu.memory_space<vmem>>
    %dma_start3A_244 = tpu.memref_squeeze %dma_start3A_243 : memref<1x1664x16xf32, #tpu.memory_space<vmem>> -> memref<1664x16xf32, #tpu.memory_space<vmem>>
    %dma_start3A_245 = arith.constant 8320 : i32
    %dma_start3A_246 = tpu.memref_slice %arg8[%dma_start3A_245] : memref<13312xi32, #tpu.memory_space<vmem>> -> memref<1664xi32, #tpu.memory_space<vmem>>
    %dma_start3A_247 = arith.constant 0 : i32
    %dma_start3A_248 = arith.constant 0 : i32
    %dma_start3A_249 = tpu.memref_slice %arg4[%dma_start3A_247, %dma_start3A_248] : memref<106496x16xf32, #tpu.memory_space<hbm>> -> memref<106496x16xf32, #tpu.memory_space<hbm>>
    tpu.enqueue_indirect_dma source(%dma_start3A_249 : memref<106496x16xf32, #tpu.memory_space<hbm>>) target(%dma_start3A_244 : memref<1664x16xf32, #tpu.memory_space<vmem>>) offsets(%dma_start3A_246 : memref<1664xi32, #tpu.memory_space<vmem>>) semaphore(%arg12 : memref<!tpu.dma_semaphore, #tpu.memory_space<semaphore_mem>>)
    %dma_wait3A_250 = arith.constant 3 : i32
    %dma_wait3A_251 = arith.constant 3 : i32
    %dma_wait3A_252 = arith.constant 0 : i32
    %dma_wait3A_253 = tpu.memref_slice %arg7[%dma_wait3A_251, %dma_wait3A_252] : memref<4x3328xi32, #tpu.memory_space<vmem>> -> memref<1x3328xi32, #tpu.memory_space<vmem>>
    %dma_wait3A_254 = tpu.memref_squeeze %dma_wait3A_253 : memref<1x3328xi32, #tpu.memory_space<vmem>> -> memref<3328xi32, #tpu.memory_space<vmem>>
    %dma_wait3A_255 = arith.constant 0 : i32
    %dma_wait3A_256 = tpu.memref_slice %arg3[%dma_wait3A_250, %dma_wait3A_255] : memref<4x1040000xi32, #tpu.memory_space<hbm>> -> memref<1x1040000xi32, #tpu.memory_space<hbm>>
    %dma_wait3A_257 = tpu.memref_squeeze %dma_wait3A_256 : memref<1x1040000xi32, #tpu.memory_space<hbm>> -> memref<1040000xi32, #tpu.memory_space<hbm>>
    %dma_wait3A_258 = arith.constant 0 : i32
    %dma_wait3A_259 = tpu.memref_slice %dma_wait3A_257[%dma_wait3A_258] : memref<1040000xi32, #tpu.memory_space<hbm>> -> memref<1040000xi32, #tpu.memory_space<hbm>>
    tpu.wait_indirect_dma semaphore(%arg11 : memref<!tpu.dma_semaphore, #tpu.memory_space<semaphore_mem>>) src(%dma_wait3A_259 : memref<1040000xi32, #tpu.memory_space<hbm>>) dst(%dma_wait3A_254 : memref<3328xi32, #tpu.memory_space<vmem>>)
    %scan3A_260 = arith.constant 0 : i32
    %scan3A_261 = arith.constant 208 : i32
    %scan3A_262 = arith.addi %scan3A_260, %scan3A_261 : i32
    %scan3A_263 = arith.constant 1 : i32
    scf.for %scan3A_350 = %scan3A_260 to %scan3A_262 step %scan3A_263  : i32 {
      %mul3A_351 = arith.constant 16 : i32
      %mul3A_352 = arith.muli %mul3A_351, %scan3A_350 : i32
      %add3A_353 = arith.addi %mul3A_2, %mul3A_352 : i32
      %add3A_354 = vector.broadcast %add3A_353 : i32 to vector<16xi32>
      %add3A_355 = arith.addi %add3A_354, %iota3A : vector<16xi32>
      %mul3A_356 = arith.constant 16 : i32
      %mul3A_357 = arith.muli %scan3A_350, %mul3A_356 : i32
      %get3A = arith.constant 3 : i32
      %get3A_358 = arith.index_cast %get3A : i32 to index
      %get3A_359 = arith.index_cast %mul3A_357 : i32 to index
      %get3A_360 = tpu.vector_load %arg7[%get3A_358, %get3A_359] {strides = array<i32>} : memref<4x3328xi32, #tpu.memory_space<vmem>>, vector<1x16xi32>,
      %get3A_361 = vector.shape_cast %get3A_360 : vector<1x16xi32> to vector<16xi32>
      %shift_left3A = arith.constant 2 : i32
      %shift_left3A_362 = vector.broadcast %shift_left3A : i32 to vector<16xi32>
      %shift_left3A_363 = arith.shli %get3A_361, %shift_left3A_362 : vector<16xi32>
      %not3A = arith.constant 4095 : i32
      %not3A_364 = arith.constant -1 : i32
      %not3A_365 = arith.xori %not3A, %not3A_364 : i32
      %and3A = vector.broadcast %not3A_365 : i32 to vector<16xi32>
      %and3A_366 = arith.andi %add3A_355, %and3A : vector<16xi32>
      %add3A_367 = arith.addi %shift_left3A_363, %and3A_366 : vector<16xi32>
      %add3A_368 = arith.constant 3 : i32
      %add3A_369 = vector.broadcast %add3A_368 : i32 to vector<16xi32>
      %add3A_370 = arith.addi %add3A_367, %add3A_369 : vector<16xi32>
      %mul3A_371 = arith.constant 16 : i32
      %mul3A_372 = arith.muli %scan3A_350, %mul3A_371 : i32
      %add3A_373 = arith.constant 9984 : i32
      %add3A_374 = arith.addi %add3A_373, %mul3A_372 : i32
      %swap3A = arith.index_cast %add3A_374 : i32 to index
      %swap3A_375 = tpu.vector_load %arg8[%swap3A] {strides = array<i32>} : memref<13312xi32, #tpu.memory_space<vmem>>, vector<16xi32>,
      %swap3A_376 = vector.shape_cast %swap3A_375 : vector<16xi32> to vector<16xi32>
      %swap3A_377 = vector.shape_cast %add3A_370 : vector<16xi32> to vector<16xi32>
      tpu.vector_store %arg8[%swap3A], %swap3A_377 {strides = array<i32>} : memref<13312xi32, #tpu.memory_space<vmem>>, vector<16xi32>,
    }
    %scan3A_264 = arith.constant 208 : i32
    %dma_wait3A_265 = arith.constant 1 : i32
    %dma_wait3A_266 = arith.constant 0 : i32
    %dma_wait3A_267 = arith.constant 0 : i32
    %dma_wait3A_268 = tpu.memref_slice %arg10[%dma_wait3A_265, %dma_wait3A_266, %dma_wait3A_267] : memref<2x1664x16xf32, #tpu.memory_space<vmem>> -> memref<1x1664x16xf32, #tpu.memory_space<vmem>>
    %dma_wait3A_269 = tpu.memref_squeeze %dma_wait3A_268 : memref<1x1664x16xf32, #tpu.memory_space<vmem>> -> memref<1664x16xf32, #tpu.memory_space<vmem>>
    %dma_wait3A_270 = arith.constant 8320 : i32
    %dma_wait3A_271 = tpu.memref_slice %arg8[%dma_wait3A_270] : memref<13312xi32, #tpu.memory_space<vmem>> -> memref<1664xi32, #tpu.memory_space<vmem>>
    %dma_wait3A_272 = arith.constant 0 : i32
    %dma_wait3A_273 = arith.constant 0 : i32
    %dma_wait3A_274 = tpu.memref_slice %arg4[%dma_wait3A_272, %dma_wait3A_273] : memref<106496x16xf32, #tpu.memory_space<hbm>> -> memref<106496x16xf32, #tpu.memory_space<hbm>>
    tpu.wait_indirect_dma semaphore(%arg12 : memref<!tpu.dma_semaphore, #tpu.memory_space<semaphore_mem>>) src(%dma_wait3A_274 : memref<106496x16xf32, #tpu.memory_space<hbm>>) dst(%dma_wait3A_269 : memref<1664x16xf32, #tpu.memory_space<vmem>>)
    %scan3A_275 = arith.constant 0 : i32
    %scan3A_276 = arith.constant 13 : i32
    %scan3A_277 = arith.addi %scan3A_275, %scan3A_276 : i32
    %scan3A_278 = arith.constant 1 : i32
    scf.for %scan3A_350 = %scan3A_275 to %scan3A_277 step %scan3A_278  : i32 {
      %mul3A_351 = arith.constant 128 : i32
      %mul3A_352 = arith.muli %scan3A_350, %mul3A_351 : i32
      %add3A_353 = arith.constant 65 : i32
      %add3A_354 = arith.addi %add3A_353, %scan3A_350 : i32
      %dma_start3A_355 = arith.constant 1 : i32
      %dma_start3A_356 = arith.constant 0 : i32
      %dma_start3A_357 = arith.constant 0 : i32
      %dma_start3A_358 = tpu.memref_slice %arg10[%dma_start3A_355, %dma_start3A_356, %dma_start3A_357] : memref<2x1664x16xf32, #tpu.memory_space<vmem>> -> memref<1x1664x16xf32, #tpu.memory_space<vmem>>
      %dma_start3A_359 = tpu.memref_squeeze %dma_start3A_358 : memref<1x1664x16xf32, #tpu.memory_space<vmem>> -> memref<1664x16xf32, #tpu.memory_space<vmem>>
      %dma_start3A_360 = arith.constant 0 : i32
      %dma_start3A_361 = tpu.memref_slice %dma_start3A_359[%mul3A_352, %dma_start3A_360] : memref<1664x16xf32, #tpu.memory_space<vmem>> -> memref<128x16xf32, #tpu.memory_space<vmem>>
      %dma_start3A_362 = arith.constant 0 : i32
      %dma_start3A_363 = tpu.memref_slice %arg9[%add3A_354, %dma_start3A_362] : memref<104x128xi32, #tpu.memory_space<vmem>> -> memref<1x128xi32, #tpu.memory_space<vmem>>
      %dma_start3A_364 = tpu.memref_squeeze %dma_start3A_363 : memref<1x128xi32, #tpu.memory_space<vmem>> -> memref<128xi32, #tpu.memory_space<vmem>>
      %dma_start3A_365 = arith.constant 0 : i32
      %dma_start3A_366 = arith.constant 0 : i32
      %dma_start3A_367 = tpu.memref_slice %arg5[%dma_start3A_365, %dma_start3A_366] : memref<425984x16xf32, #tpu.memory_space<hbm>> -> memref<425984x16xf32, #tpu.memory_space<hbm>>
      tpu.enqueue_indirect_dma source(%dma_start3A_361 : memref<128x16xf32, #tpu.memory_space<vmem>>) target(%dma_start3A_367 : memref<425984x16xf32, #tpu.memory_space<hbm>>) offsets(%dma_start3A_364 : memref<128xi32, #tpu.memory_space<vmem>>) semaphore(%arg14 : memref<!tpu.dma_semaphore, #tpu.memory_space<semaphore_mem>>)
    }
    %scan3A_279 = arith.constant 13 : i32
    %scan3A_280 = arith.constant 0 : i32
    %scan3A_281 = arith.constant 13 : i32
    %scan3A_282 = arith.addi %scan3A_280, %scan3A_281 : i32
    %scan3A_283 = arith.constant 1 : i32
    scf.for %scan3A_350 = %scan3A_280 to %scan3A_282 step %scan3A_283  : i32 {
      %mul3A_351 = arith.constant 128 : i32
      %mul3A_352 = arith.muli %scan3A_350, %mul3A_351 : i32
      %add3A_353 = arith.constant 52 : i32
      %add3A_354 = arith.addi %add3A_353, %scan3A_350 : i32
      %dma_wait3A_355 = arith.constant 0 : i32
      %dma_wait3A_356 = arith.constant 0 : i32
      %dma_wait3A_357 = arith.constant 0 : i32
      %dma_wait3A_358 = tpu.memref_slice %arg10[%dma_wait3A_355, %dma_wait3A_356, %dma_wait3A_357] : memref<2x1664x16xf32, #tpu.memory_space<vmem>> -> memref<1x1664x16xf32, #tpu.memory_space<vmem>>
      %dma_wait3A_359 = tpu.memref_squeeze %dma_wait3A_358 : memref<1x1664x16xf32, #tpu.memory_space<vmem>> -> memref<1664x16xf32, #tpu.memory_space<vmem>>
      %dma_wait3A_360 = arith.constant 0 : i32
      %dma_wait3A_361 = tpu.memref_slice %dma_wait3A_359[%mul3A_352, %dma_wait3A_360] : memref<1664x16xf32, #tpu.memory_space<vmem>> -> memref<128x16xf32, #tpu.memory_space<vmem>>
      %dma_wait3A_362 = arith.constant 0 : i32
      %dma_wait3A_363 = tpu.memref_slice %arg9[%add3A_354, %dma_wait3A_362] : memref<104x128xi32, #tpu.memory_space<vmem>> -> memref<1x128xi32, #tpu.memory_space<vmem>>
      %dma_wait3A_364 = tpu.memref_squeeze %dma_wait3A_363 : memref<1x128xi32, #tpu.memory_space<vmem>> -> memref<128xi32, #tpu.memory_space<vmem>>
      %dma_wait3A_365 = arith.constant 0 : i32
      %dma_wait3A_366 = arith.constant 0 : i32
      %dma_wait3A_367 = tpu.memref_slice %arg5[%dma_wait3A_365, %dma_wait3A_366] : memref<425984x16xf32, #tpu.memory_space<hbm>> -> memref<425984x16xf32, #tpu.memory_space<hbm>>
      tpu.wait_indirect_dma semaphore(%arg13 : memref<!tpu.dma_semaphore, #tpu.memory_space<semaphore_mem>>) src(%dma_wait3A_361 : memref<128x16xf32, #tpu.memory_space<vmem>>) dst(%dma_wait3A_367 : memref<425984x16xf32, #tpu.memory_space<hbm>>)
    }
    %scan3A_284 = arith.constant 13 : i32
    %dma_start3A_285 = arith.constant 0 : i32
    %dma_start3A_286 = arith.constant 0 : i32
    %dma_start3A_287 = arith.constant 0 : i32
    %dma_start3A_288 = tpu.memref_slice %arg10[%dma_start3A_285, %dma_start3A_286, %dma_start3A_287] : memref<2x1664x16xf32, #tpu.memory_space<vmem>> -> memref<1x1664x16xf32, #tpu.memory_space<vmem>>
    %dma_start3A_289 = tpu.memref_squeeze %dma_start3A_288 : memref<1x1664x16xf32, #tpu.memory_space<vmem>> -> memref<1664x16xf32, #tpu.memory_space<vmem>>
    %dma_start3A_290 = arith.constant 9984 : i32
    %dma_start3A_291 = tpu.memref_slice %arg8[%dma_start3A_290] : memref<13312xi32, #tpu.memory_space<vmem>> -> memref<1664xi32, #tpu.memory_space<vmem>>
    %dma_start3A_292 = arith.constant 0 : i32
    %dma_start3A_293 = arith.constant 0 : i32
    %dma_start3A_294 = tpu.memref_slice %arg4[%dma_start3A_292, %dma_start3A_293] : memref<106496x16xf32, #tpu.memory_space<hbm>> -> memref<106496x16xf32, #tpu.memory_space<hbm>>
    tpu.enqueue_indirect_dma source(%dma_start3A_294 : memref<106496x16xf32, #tpu.memory_space<hbm>>) target(%dma_start3A_289 : memref<1664x16xf32, #tpu.memory_space<vmem>>) offsets(%dma_start3A_291 : memref<1664xi32, #tpu.memory_space<vmem>>) semaphore(%arg12 : memref<!tpu.dma_semaphore, #tpu.memory_space<semaphore_mem>>)
    %dma_wait3A_295 = arith.constant 0 : i32
    %dma_wait3A_296 = arith.constant 0 : i32
    %dma_wait3A_297 = arith.constant 0 : i32
    %dma_wait3A_298 = tpu.memref_slice %arg10[%dma_wait3A_295, %dma_wait3A_296, %dma_wait3A_297] : memref<2x1664x16xf32, #tpu.memory_space<vmem>> -> memref<1x1664x16xf32, #tpu.memory_space<vmem>>
    %dma_wait3A_299 = tpu.memref_squeeze %dma_wait3A_298 : memref<1x1664x16xf32, #tpu.memory_space<vmem>> -> memref<1664x16xf32, #tpu.memory_space<vmem>>
    %dma_wait3A_300 = arith.constant 9984 : i32
    %dma_wait3A_301 = tpu.memref_slice %arg8[%dma_wait3A_300] : memref<13312xi32, #tpu.memory_space<vmem>> -> memref<1664xi32, #tpu.memory_space<vmem>>
    %dma_wait3A_302 = arith.constant 0 : i32
    %dma_wait3A_303 = arith.constant 0 : i32
    %dma_wait3A_304 = tpu.memref_slice %arg4[%dma_wait3A_302, %dma_wait3A_303] : memref<106496x16xf32, #tpu.memory_space<hbm>> -> memref<106496x16xf32, #tpu.memory_space<hbm>>
    tpu.wait_indirect_dma semaphore(%arg12 : memref<!tpu.dma_semaphore, #tpu.memory_space<semaphore_mem>>) src(%dma_wait3A_304 : memref<106496x16xf32, #tpu.memory_space<hbm>>) dst(%dma_wait3A_299 : memref<1664x16xf32, #tpu.memory_space<vmem>>)
    %scan3A_305 = arith.constant 0 : i32
    %scan3A_306 = arith.constant 13 : i32
    %scan3A_307 = arith.addi %scan3A_305, %scan3A_306 : i32
    %scan3A_308 = arith.constant 1 : i32
    scf.for %scan3A_350 = %scan3A_305 to %scan3A_307 step %scan3A_308  : i32 {
      %mul3A_351 = arith.constant 128 : i32
      %mul3A_352 = arith.muli %scan3A_350, %mul3A_351 : i32
      %add3A_353 = arith.constant 78 : i32
      %add3A_354 = arith.addi %add3A_353, %scan3A_350 : i32
      %dma_start3A_355 = arith.constant 0 : i32
      %dma_start3A_356 = arith.constant 0 : i32
      %dma_start3A_357 = arith.constant 0 : i32
      %dma_start3A_358 = tpu.memref_slice %arg10[%dma_start3A_355, %dma_start3A_356, %dma_start3A_357] : memref<2x1664x16xf32, #tpu.memory_space<vmem>> -> memref<1x1664x16xf32, #tpu.memory_space<vmem>>
      %dma_start3A_359 = tpu.memref_squeeze %dma_start3A_358 : memref<1x1664x16xf32, #tpu.memory_space<vmem>> -> memref<1664x16xf32, #tpu.memory_space<vmem>>
      %dma_start3A_360 = arith.constant 0 : i32
      %dma_start3A_361 = tpu.memref_slice %dma_start3A_359[%mul3A_352, %dma_start3A_360] : memref<1664x16xf32, #tpu.memory_space<vmem>> -> memref<128x16xf32, #tpu.memory_space<vmem>>
      %dma_start3A_362 = arith.constant 0 : i32
      %dma_start3A_363 = tpu.memref_slice %arg9[%add3A_354, %dma_start3A_362] : memref<104x128xi32, #tpu.memory_space<vmem>> -> memref<1x128xi32, #tpu.memory_space<vmem>>
      %dma_start3A_364 = tpu.memref_squeeze %dma_start3A_363 : memref<1x128xi32, #tpu.memory_space<vmem>> -> memref<128xi32, #tpu.memory_space<vmem>>
      %dma_start3A_365 = arith.constant 0 : i32
      %dma_start3A_366 = arith.constant 0 : i32
      %dma_start3A_367 = tpu.memref_slice %arg5[%dma_start3A_365, %dma_start3A_366] : memref<425984x16xf32, #tpu.memory_space<hbm>> -> memref<425984x16xf32, #tpu.memory_space<hbm>>
      tpu.enqueue_indirect_dma source(%dma_start3A_361 : memref<128x16xf32, #tpu.memory_space<vmem>>) target(%dma_start3A_367 : memref<425984x16xf32, #tpu.memory_space<hbm>>) offsets(%dma_start3A_364 : memref<128xi32, #tpu.memory_space<vmem>>) semaphore(%arg13 : memref<!tpu.dma_semaphore, #tpu.memory_space<semaphore_mem>>)
    }
    %scan3A_309 = arith.constant 13 : i32
    %scan3A_310 = arith.constant 0 : i32
    %scan3A_311 = arith.constant 13 : i32
    %scan3A_312 = arith.addi %scan3A_310, %scan3A_311 : i32
    %scan3A_313 = arith.constant 1 : i32
    scf.for %scan3A_350 = %scan3A_310 to %scan3A_312 step %scan3A_313  : i32 {
      %mul3A_351 = arith.constant 128 : i32
      %mul3A_352 = arith.muli %scan3A_350, %mul3A_351 : i32
      %add3A_353 = arith.constant 65 : i32
      %add3A_354 = arith.addi %add3A_353, %scan3A_350 : i32
      %dma_wait3A_355 = arith.constant 1 : i32
      %dma_wait3A_356 = arith.constant 0 : i32
      %dma_wait3A_357 = arith.constant 0 : i32
      %dma_wait3A_358 = tpu.memref_slice %arg10[%dma_wait3A_355, %dma_wait3A_356, %dma_wait3A_357] : memref<2x1664x16xf32, #tpu.memory_space<vmem>> -> memref<1x1664x16xf32, #tpu.memory_space<vmem>>
      %dma_wait3A_359 = tpu.memref_squeeze %dma_wait3A_358 : memref<1x1664x16xf32, #tpu.memory_space<vmem>> -> memref<1664x16xf32, #tpu.memory_space<vmem>>
      %dma_wait3A_360 = arith.constant 0 : i32
      %dma_wait3A_361 = tpu.memref_slice %dma_wait3A_359[%mul3A_352, %dma_wait3A_360] : memref<1664x16xf32, #tpu.memory_space<vmem>> -> memref<128x16xf32, #tpu.memory_space<vmem>>
      %dma_wait3A_362 = arith.constant 0 : i32
      %dma_wait3A_363 = tpu.memref_slice %arg9[%add3A_354, %dma_wait3A_362] : memref<104x128xi32, #tpu.memory_space<vmem>> -> memref<1x128xi32, #tpu.memory_space<vmem>>
      %dma_wait3A_364 = tpu.memref_squeeze %dma_wait3A_363 : memref<1x128xi32, #tpu.memory_space<vmem>> -> memref<128xi32, #tpu.memory_space<vmem>>
      %dma_wait3A_365 = arith.constant 0 : i32
      %dma_wait3A_366 = arith.constant 0 : i32
      %dma_wait3A_367 = tpu.memref_slice %arg5[%dma_wait3A_365, %dma_wait3A_366] : memref<425984x16xf32, #tpu.memory_space<hbm>> -> memref<425984x16xf32, #tpu.memory_space<hbm>>
      tpu.wait_indirect_dma semaphore(%arg14 : memref<!tpu.dma_semaphore, #tpu.memory_space<semaphore_mem>>) src(%dma_wait3A_361 : memref<128x16xf32, #tpu.memory_space<vmem>>) dst(%dma_wait3A_367 : memref<425984x16xf32, #tpu.memory_space<hbm>>)
    }
    %scan3A_314 = arith.constant 13 : i32
    %dma_start3A_315 = arith.constant 1 : i32
    %dma_start3A_316 = arith.constant 0 : i32
    %dma_start3A_317 = arith.constant 0 : i32
    %dma_start3A_318 = tpu.memref_slice %arg10[%dma_start3A_315, %dma_start3A_316, %dma_start3A_317] : memref<2x1664x16xf32, #tpu.memory_space<vmem>> -> memref<1x1664x16xf32, #tpu.memory_space<vmem>>
    %dma_start3A_319 = tpu.memref_squeeze %dma_start3A_318 : memref<1x1664x16xf32, #tpu.memory_space<vmem>> -> memref<1664x16xf32, #tpu.memory_space<vmem>>
    %dma_start3A_320 = arith.constant 11648 : i32
    %dma_start3A_321 = tpu.memref_slice %arg8[%dma_start3A_320] : memref<13312xi32, #tpu.memory_space<vmem>> -> memref<1664xi32, #tpu.memory_space<vmem>>
    %dma_start3A_322 = arith.constant 0 : i32
    %dma_start3A_323 = arith.constant 0 : i32
    %dma_start3A_324 = tpu.memref_slice %arg4[%dma_start3A_322, %dma_start3A_323] : memref<106496x16xf32, #tpu.memory_space<hbm>> -> memref<106496x16xf32, #tpu.memory_space<hbm>>
    tpu.enqueue_indirect_dma source(%dma_start3A_324 : memref<106496x16xf32, #tpu.memory_space<hbm>>) target(%dma_start3A_319 : memref<1664x16xf32, #tpu.memory_space<vmem>>) offsets(%dma_start3A_321 : memref<1664xi32, #tpu.memory_space<vmem>>) semaphore(%arg12 : memref<!tpu.dma_semaphore, #tpu.memory_space<semaphore_mem>>)
    %dma_wait3A_325 = arith.constant 1 : i32
    %dma_wait3A_326 = arith.constant 0 : i32
    %dma_wait3A_327 = arith.constant 0 : i32
    %dma_wait3A_328 = tpu.memref_slice %arg10[%dma_wait3A_325, %dma_wait3A_326, %dma_wait3A_327] : memref<2x1664x16xf32, #tpu.memory_space<vmem>> -> memref<1x1664x16xf32, #tpu.memory_space<vmem>>
    %dma_wait3A_329 = tpu.memref_squeeze %dma_wait3A_328 : memref<1x1664x16xf32, #tpu.memory_space<vmem>> -> memref<1664x16xf32, #tpu.memory_space<vmem>>
    %dma_wait3A_330 = arith.constant 11648 : i32
    %dma_wait3A_331 = tpu.memref_slice %arg8[%dma_wait3A_330] : memref<13312xi32, #tpu.memory_space<vmem>> -> memref<1664xi32, #tpu.memory_space<vmem>>
    %dma_wait3A_332 = arith.constant 0 : i32
    %dma_wait3A_333 = arith.constant 0 : i32
    %dma_wait3A_334 = tpu.memref_slice %arg4[%dma_wait3A_332, %dma_wait3A_333] : memref<106496x16xf32, #tpu.memory_space<hbm>> -> memref<106496x16xf32, #tpu.memory_space<hbm>>
    tpu.wait_indirect_dma semaphore(%arg12 : memref<!tpu.dma_semaphore, #tpu.memory_space<semaphore_mem>>) src(%dma_wait3A_334 : memref<106496x16xf32, #tpu.memory_space<hbm>>) dst(%dma_wait3A_329 : memref<1664x16xf32, #tpu.memory_space<vmem>>)
    %scan3A_335 = arith.constant 0 : i32
    %scan3A_336 = arith.constant 13 : i32
    %scan3A_337 = arith.addi %scan3A_335, %scan3A_336 : i32
    %scan3A_338 = arith.constant 1 : i32
    scf.for %scan3A_350 = %scan3A_335 to %scan3A_337 step %scan3A_338  : i32 {
      %mul3A_351 = arith.constant 128 : i32
      %mul3A_352 = arith.muli %scan3A_350, %mul3A_351 : i32
      %add3A_353 = arith.constant 91 : i32
      %add3A_354 = arith.addi %add3A_353, %scan3A_350 : i32
      %dma_start3A_355 = arith.constant 1 : i32
      %dma_start3A_356 = arith.constant 0 : i32
      %dma_start3A_357 = arith.constant 0 : i32
      %dma_start3A_358 = tpu.memref_slice %arg10[%dma_start3A_355, %dma_start3A_356, %dma_start3A_357] : memref<2x1664x16xf32, #tpu.memory_space<vmem>> -> memref<1x1664x16xf32, #tpu.memory_space<vmem>>
      %dma_start3A_359 = tpu.memref_squeeze %dma_start3A_358 : memref<1x1664x16xf32, #tpu.memory_space<vmem>> -> memref<1664x16xf32, #tpu.memory_space<vmem>>
      %dma_start3A_360 = arith.constant 0 : i32
      %dma_start3A_361 = tpu.memref_slice %dma_start3A_359[%mul3A_352, %dma_start3A_360] : memref<1664x16xf32, #tpu.memory_space<vmem>> -> memref<128x16xf32, #tpu.memory_space<vmem>>
      %dma_start3A_362 = arith.constant 0 : i32
      %dma_start3A_363 = tpu.memref_slice %arg9[%add3A_354, %dma_start3A_362] : memref<104x128xi32, #tpu.memory_space<vmem>> -> memref<1x128xi32, #tpu.memory_space<vmem>>
      %dma_start3A_364 = tpu.memref_squeeze %dma_start3A_363 : memref<1x128xi32, #tpu.memory_space<vmem>> -> memref<128xi32, #tpu.memory_space<vmem>>
      %dma_start3A_365 = arith.constant 0 : i32
      %dma_start3A_366 = arith.constant 0 : i32
      %dma_start3A_367 = tpu.memref_slice %arg5[%dma_start3A_365, %dma_start3A_366] : memref<425984x16xf32, #tpu.memory_space<hbm>> -> memref<425984x16xf32, #tpu.memory_space<hbm>>
      tpu.enqueue_indirect_dma source(%dma_start3A_361 : memref<128x16xf32, #tpu.memory_space<vmem>>) target(%dma_start3A_367 : memref<425984x16xf32, #tpu.memory_space<hbm>>) offsets(%dma_start3A_364 : memref<128xi32, #tpu.memory_space<vmem>>) semaphore(%arg14 : memref<!tpu.dma_semaphore, #tpu.memory_space<semaphore_mem>>)
    }
    %scan3A_339 = arith.constant 13 : i32
    %scan3A_340 = arith.constant 0 : i32
    %scan3A_341 = arith.constant 13 : i32
    %scan3A_342 = arith.addi %scan3A_340, %scan3A_341 : i32
    %scan3A_343 = arith.constant 1 : i32
    scf.for %scan3A_350 = %scan3A_340 to %scan3A_342 step %scan3A_343  : i32 {
      %mul3A_351 = arith.constant 128 : i32
      %mul3A_352 = arith.muli %scan3A_350, %mul3A_351 : i32
      %add3A_353 = arith.constant 78 : i32
      %add3A_354 = arith.addi %add3A_353, %scan3A_350 : i32
      %dma_wait3A_355 = arith.constant 0 : i32
      %dma_wait3A_356 = arith.constant 0 : i32
      %dma_wait3A_357 = arith.constant 0 : i32
      %dma_wait3A_358 = tpu.memref_slice %arg10[%dma_wait3A_355, %dma_wait3A_356, %dma_wait3A_357] : memref<2x1664x16xf32, #tpu.memory_space<vmem>> -> memref<1x1664x16xf32, #tpu.memory_space<vmem>>
      %dma_wait3A_359 = tpu.memref_squeeze %dma_wait3A_358 : memref<1x1664x16xf32, #tpu.memory_space<vmem>> -> memref<1664x16xf32, #tpu.memory_space<vmem>>
      %dma_wait3A_360 = arith.constant 0 : i32
      %dma_wait3A_361 = tpu.memref_slice %dma_wait3A_359[%mul3A_352, %dma_wait3A_360] : memref<1664x16xf32, #tpu.memory_space<vmem>> -> memref<128x16xf32, #tpu.memory_space<vmem>>
      %dma_wait3A_362 = arith.constant 0 : i32
      %dma_wait3A_363 = tpu.memref_slice %arg9[%add3A_354, %dma_wait3A_362] : memref<104x128xi32, #tpu.memory_space<vmem>> -> memref<1x128xi32, #tpu.memory_space<vmem>>
      %dma_wait3A_364 = tpu.memref_squeeze %dma_wait3A_363 : memref<1x128xi32, #tpu.memory_space<vmem>> -> memref<128xi32, #tpu.memory_space<vmem>>
      %dma_wait3A_365 = arith.constant 0 : i32
      %dma_wait3A_366 = arith.constant 0 : i32
      %dma_wait3A_367 = tpu.memref_slice %arg5[%dma_wait3A_365, %dma_wait3A_366] : memref<425984x16xf32, #tpu.memory_space<hbm>> -> memref<425984x16xf32, #tpu.memory_space<hbm>>
      tpu.wait_indirect_dma semaphore(%arg13 : memref<!tpu.dma_semaphore, #tpu.memory_space<semaphore_mem>>) src(%dma_wait3A_361 : memref<128x16xf32, #tpu.memory_space<vmem>>) dst(%dma_wait3A_367 : memref<425984x16xf32, #tpu.memory_space<hbm>>)
    }
    %scan3A_344 = arith.constant 13 : i32
    %scan3A_345 = arith.constant 0 : i32
    %scan3A_346 = arith.constant 13 : i32
    %scan3A_347 = arith.addi %scan3A_345, %scan3A_346 : i32
    %scan3A_348 = arith.constant 1 : i32
    scf.for %scan3A_350 = %scan3A_345 to %scan3A_347 step %scan3A_348  : i32 {
      %mul3A_351 = arith.constant 128 : i32
      %mul3A_352 = arith.muli %scan3A_350, %mul3A_351 : i32
      %add3A_353 = arith.constant 91 : i32
      %add3A_354 = arith.addi %add3A_353, %scan3A_350 : i32
      %dma_wait3A_355 = arith.constant 1 : i32
      %dma_wait3A_356 = arith.constant 0 : i32
      %dma_wait3A_357 = arith.constant 0 : i32
      %dma_wait3A_358 = tpu.memref_slice %arg10[%dma_wait3A_355, %dma_wait3A_356, %dma_wait3A_357] : memref<2x1664x16xf32, #tpu.memory_space<vmem>> -> memref<1x1664x16xf32, #tpu.memory_space<vmem>>
      %dma_wait3A_359 = tpu.memref_squeeze %dma_wait3A_358 : memref<1x1664x16xf32, #tpu.memory_space<vmem>> -> memref<1664x16xf32, #tpu.memory_space<vmem>>
      %dma_wait3A_360 = arith.constant 0 : i32
      %dma_wait3A_361 = tpu.memref_slice %dma_wait3A_359[%mul3A_352, %dma_wait3A_360] : memref<1664x16xf32, #tpu.memory_space<vmem>> -> memref<128x16xf32, #tpu.memory_space<vmem>>
      %dma_wait3A_362 = arith.constant 0 : i32
      %dma_wait3A_363 = tpu.memref_slice %arg9[%add3A_354, %dma_wait3A_362] : memref<104x128xi32, #tpu.memory_space<vmem>> -> memref<1x128xi32, #tpu.memory_space<vmem>>
      %dma_wait3A_364 = tpu.memref_squeeze %dma_wait3A_363 : memref<1x128xi32, #tpu.memory_space<vmem>> -> memref<128xi32, #tpu.memory_space<vmem>>
      %dma_wait3A_365 = arith.constant 0 : i32
      %dma_wait3A_366 = arith.constant 0 : i32
      %dma_wait3A_367 = tpu.memref_slice %arg5[%dma_wait3A_365, %dma_wait3A_366] : memref<425984x16xf32, #tpu.memory_space<hbm>> -> memref<425984x16xf32, #tpu.memory_space<hbm>>
      tpu.wait_indirect_dma semaphore(%arg14 : memref<!tpu.dma_semaphore, #tpu.memory_space<semaphore_mem>>) src(%dma_wait3A_361 : memref<128x16xf32, #tpu.memory_space<vmem>>) dst(%dma_wait3A_367 : memref<425984x16xf32, #tpu.memory_space<hbm>>)
    }
    %scan3A_349 = arith.constant 13 : i32
    return
  }
}

module attributes {stable_mosaic.version = 14 : i64} {
  func.func @_tc_transpose(%arg0: i32, %arg1: memref<1x2048x128xf32, #tpu.memory_space<vmem>>, %arg2: memref<1x64x4096xf32, #tpu.memory_space<vmem>>) attributes {dimension_semantics = [#tpu.dimension_semantics<arbitrary>], iteration_bounds = array<i64: 26>, scalar_prefetch = 0 : i64, scratch_operands = 0 : i64, tpu.core_type = #tpu.core_type<tc>, window_params = [{transform_indices = @transform_0, window_bounds = array<i64: 1, 2048, 128>}, {transform_indices = @transform_1, window_bounds = array<i64: 1, 64, 4096>}]} {
    %get3A = arith.constant 0 : index
    %get3A_0 = arith.constant 0 : index
    %get3A_1 = arith.constant 0 : index
    %get3A_2 = vector.load %arg1[%get3A, %get3A_0, %get3A_1] : memref<1x2048x128xf32, #tpu.memory_space<vmem>>, vector<1x2048x64xf32>
    %get3A_3 = vector.shape_cast %get3A_2 : vector<1x2048x64xf32> to vector<2048x64xf32>
    %transpose3A = tpu.transpose %get3A_3, [1, 0] : vector<2048x64xf32> -> vector<64x2048xf32>
    %swap3A = arith.constant 0 : index
    %swap3A_4 = arith.constant 0 : index
    %swap3A_5 = arith.constant 0 : index
    %swap3A_6 = vector.load %arg2[%swap3A, %swap3A_4, %swap3A_5] : memref<1x64x4096xf32, #tpu.memory_space<vmem>>, vector<1x64x2048xf32>
    %swap3A_7 = vector.shape_cast %swap3A_6 : vector<1x64x2048xf32> to vector<64x2048xf32>
    %swap3A_8 = vector.shape_cast %transpose3A : vector<64x2048xf32> to vector<1x64x2048xf32>
    tpu.vector_store %arg2[%swap3A, %swap3A_4, %swap3A_5], %swap3A_8 {strides = array<i32>} : memref<1x64x4096xf32, #tpu.memory_space<vmem>>, vector<1x64x2048xf32>,
    %get3A_9 = arith.constant 0 : index
    %get3A_10 = arith.constant 0 : index
    %get3A_11 = arith.constant 64 : index
    %get3A_12 = vector.load %arg1[%get3A_9, %get3A_10, %get3A_11] : memref<1x2048x128xf32, #tpu.memory_space<vmem>>, vector<1x2048x64xf32>
    %get3A_13 = vector.shape_cast %get3A_12 : vector<1x2048x64xf32> to vector<2048x64xf32>
    %transpose3A_14 = tpu.transpose %get3A_13, [1, 0] : vector<2048x64xf32> -> vector<64x2048xf32>
    %swap3A_15 = arith.constant 0 : index
    %swap3A_16 = arith.constant 0 : index
    %swap3A_17 = arith.constant 2048 : index
    %swap3A_18 = vector.load %arg2[%swap3A_15, %swap3A_16, %swap3A_17] : memref<1x64x4096xf32, #tpu.memory_space<vmem>>, vector<1x64x2048xf32>
    %swap3A_19 = vector.shape_cast %swap3A_18 : vector<1x64x2048xf32> to vector<64x2048xf32>
    %swap3A_20 = vector.shape_cast %transpose3A_14 : vector<64x2048xf32> to vector<1x64x2048xf32>
    tpu.vector_store %arg2[%swap3A_15, %swap3A_16, %swap3A_17], %swap3A_20 {strides = array<i32>} : memref<1x64x4096xf32, #tpu.memory_space<vmem>>, vector<1x64x2048xf32>,
    return
  }
  func.func @transform_0(%arg0: i32) -> (i32, i32, i32) {
    %c0_i32 = arith.constant 0 : i32
    %c0_i32_0 = arith.constant 0 : i32
    %c0_i32_1 = arith.constant 0 : i32
    return %arg0, %c0_i32, %c0_i32_0 : i32, i32, i32
  }
  func.func @transform_1(%arg0: i32) -> (i32, i32, i32) {
    %c0_i32 = arith.constant 0 : i32
    %c0_i32_0 = arith.constant 0 : i32
    %c0_i32_1 = arith.constant 0 : i32
    return %arg0, %c0_i32, %c0_i32_0 : i32, i32, i32
  }
}

</mosaic_0001>

<sc_bundles>
// kernel: kernel.4.cloned.1.call-start
scs
__scs_entry_jumppad:
0x0: {  	(pc) =	sbr.rel $0x88, $3  }
0x1: {  	(tag) =	ssettag $0x0;
	lr =	simm.s32 $0x1  }
0x2: {  	[smem:$0x3F9E] =	sst lr;
	_ =	strace $0xD0000000  }
0x3: {  	_ = 	snop  }
0x4: {  	_ = 	snop  }
0x5: {  	_ = 	snop  }
0x6: {  	_ = 	snop  }
0x7: {  	_ = 	snop  }
__scs_overlays_trampoline_lowered:
0x8: {  	[smem:$0x3FAD] =	sst s0  }
0x9: {  	[smem:$0x3FAE] =	sst s1  }
0xa: {  	[smem:$0x3FAF] =	sst s2  }
0xb: {  	[smem:$0x3FB0] =	sst s3  }
0xc: {  	[smem:$0x3FB1] =	sst s4  }
0xd: {  	[smem:$0x3FB2] =	sst s5  }
0xe: {  	[smem:$0x3FB3] =	sst s6  }
0xf: {  	[smem:$0x3FB4] =	sst s7  }
0x10: {  	[smem:$0x3FB5] =	sst s8  }
0x11: {  	[smem:$0x3FB6] =	sst s9;
	s0 =	simm.s32 @!p0 $0x0  }
0x12: {  	s1 =	sld [smem:$0x3F9C];
	s0 =	simm.s32 @p0 $0x1  }
0x13: {  	[smem:$0x3FB7] =	sst s0;
	s0 =	simm.s32 @!p1 $0x0  }
0x14: {  	s2 =	sld [smem:$0x3F9B];
	s0 =	simm.s32 @p1 $0x1  }
0x15: {  	[smem:$0x3FB8] =	sst s0;
	s0 =	simm.s32 @!p2 $0x0  }
0x16: {  	s3 =	sld [smem:$0x3FDB];
	s0 =	simm.s32 @p2 $0x1  }
0x17: {  	s4 =	simm.s32 $0x1BF5;
	[smem:$0x3FBA] =	sst s0  }
0x18: {  	s0 =	sld [smem:$0x3F9D];
	_ =	swait.ge [sflag:s4], $0x0  }
0x19: {  	s7 =	sld [smem:$0x3F9E]  }
0x1a: {  	s8 =	sadd.s32 $0xFFFFE003, lr  }
0x1b: {  	s9 =	sadd.s32 $0xFFFFFEF7, lr;
	s5 =	simm.s32 $0xFFFFFFFF;
	p2 =	slt.u32 s8, $0xFFFFF086  }
0x1c: {  	p1 =	slt.u32 s9, $0xF7A;
	s5 =	simm.s32 @!p2 $0x0  }
0x1d: {  	s5 =	simm.s32 @p1 $0x1;
	p0 =	seq.s32 s7, s2  }
0x1e: {  	s7 =	smul.u32 @!p0 $0xF7A, s2;
	p2 =	seq.s32 @!p0 s5, $0x0  }
0x1f: {  	s9 =	smul.u32 $0xF7A, s1;
	s8 =	simm.s32 @!p0 $0x1BF5;
	p2 =	por !p2, p0  }
0x20: {  	[sflag:s8] =	ssyncset.s32 @!p0 $0xFFFFF086;
	s6 =	sadd.s32 @!p0 s3, s7;
	s7 =	simm.s32 @!p0 $0x108  }
0x21: {  	s3 =	sadd.s32 s3, s9;
	s6 =	sadd.s32 @!p0 $0x88, s6;
	s7 =	simm.s32 @p2 $0x1082  }
0x22: {  	[simem:s7], [sflag:s8] =	dma.local @!p0 [hbm:s6], $0xF7A  }
0x23: {  	s9 =	sor.u32 $0xD0000000, s2;
	s6 =	simm.s32 $0x108;
	_ =	swait.ge @!p0 [sflag:s8], $0x0  }
0x24: {  	s3 =	sadd.s32 $0x88, s3;
	s6 =	simm.s32 @!p1 $0x1082;
	[sflag:s4] =	ssyncset.s32 $0xFFFFF086  }
0x25: {  	[simem:s6], [sflag:s4] =	dma.local [hbm:s3], $0xF7A  }
0x26: {  	[smem:$0x3F9E] =	sst s1;
	(tag) =	ssettag s2;
	_ =	strace s9  }
0x27: {  	s1 =	sld [smem:$0x3FAE]  }
0x28: {  	s2 =	sld [smem:$0x3FAF]  }
0x29: {  	s4 =	sld [smem:$0x3FB1]  }
0x2a: {  	p0 =	seq.s32 s5, $0x0;
	s5 =	sld [smem:$0x3FB2]  }
0x2b: {  	s6 =	sld [smem:$0x3FB3]  }
0x2c: {  	s7 =	sld [smem:$0x3FB4]  }
0x2d: {  	s3 =	simm.s32 $0x108;
	s8 =	sld [smem:$0x3FB5]  }
0x2e: {  	s3 =	simm.s32 @!p0 $0x1082;
	s9 =	sld [smem:$0x3FB6]  }
0x2f: {  	lr =	sadd.s32 s0, s3;
	s0 =	sld [smem:$0x3FAD]  }
0x30: {  	s3 =	sld [smem:$0x3FB0]  }
0x31: {  	[smem:$0x3FB9] =	sst s10  }
0x32: {  	s10 =	sld [smem:$0x3FB7];
	_ =	sdelay $0x3  }
0x33: {  	p0 =	seq.s32 s10, $0x1;
	s10 =	sld [smem:$0x3FB9];
	_ =	sdelay $0x3  }
0x34: {  	[smem:$0x3FB9] =	sst s10  }
0x35: {  	s10 =	sld [smem:$0x3FB8];
	_ =	sdelay $0x3  }
0x36: {  	p1 =	seq.s32 s10, $0x1;
	s10 =	sld [smem:$0x3FB9];
	_ =	sdelay $0x3  }
0x37: {  	[smem:$0x3FB9] =	sst s10  }
0x38: {  	s10 =	sld [smem:$0x3FBA]  }
0x39: {  	_ = 	snop;
	(pc) =	sbr.ind lr, $3  }
0x3a: {  	_ = 	snop  }
0x3b: {  	_ = 	snop  }
0x3c: {  	p2 =	seq.s32 s10, $0x1;
	s10 =	sld [smem:$0x3FB9]  }
0x3d: {  	_ =	shalt  }
0x3e: {  	_ =	shalt  }
0x3f: {  	_ =	shalt  }
0x40: {  	_ =	shalt  }
0x41: {  	_ =	shalt  }
0x42: {  	_ =	shalt  }
0x43: {  	_ =	shalt  }
0x44: {  	_ =	shalt  }
0x45: {  	_ =	shalt  }
0x46: {  	_ =	shalt  }
0x47: {  	_ =	shalt  }
0x48: {  	_ =	shalt  }
0x49: {  	_ =	shalt  }
0x4a: {  	_ =	shalt  }
0x4b: {  	_ =	shalt  }
0x4c: {  	_ =	shalt  }
0x4d: {  	_ =	shalt  }
0x4e: {  	_ =	shalt  }
0x4f: {  	_ =	shalt  }
0x50: {  	_ =	shalt  }
0x51: {  	_ =	shalt  }
0x52: {  	_ =	shalt  }
0x53: {  	_ =	shalt  }
0x54: {  	_ =	shalt  }
0x55: {  	_ =	shalt  }
0x56: {  	_ =	shalt  }
0x57: {  	_ =	shalt  }
0x58: {  	_ =	shalt  }
0x59: {  	_ =	shalt  }
0x5a: {  	_ =	shalt  }
0x5b: {  	_ =	shalt  }
0x5c: {  	_ =	shalt  }
0x5d: {  	_ =	shalt  }
0x5e: {  	_ =	shalt  }
0x5f: {  	_ =	shalt  }
0x60: {  	_ =	shalt  }
0x61: {  	_ =	shalt  }
0x62: {  	_ =	shalt  }
0x63: {  	_ =	shalt  }
0x64: {  	_ =	shalt  }
0x65: {  	_ =	shalt  }
0x66: {  	_ =	shalt  }
0x67: {  	_ =	shalt  }
0x68: {  	_ =	shalt  }
0x69: {  	_ =	shalt  }
0x6a: {  	_ =	shalt  }
0x6b: {  	_ =	shalt  }
0x6c: {  	_ =	shalt  }
0x6d: {  	_ =	shalt  }
0x6e: {  	_ =	shalt  }
0x6f: {  	_ =	shalt  }
0x70: {  	_ =	shalt  }
0x71: {  	_ =	shalt  }
0x72: {  	_ =	shalt  }
0x73: {  	_ =	shalt  }
0x74: {  	_ =	shalt  }
0x75: {  	_ =	shalt  }
0x76: {  	_ =	shalt  }
0x77: {  	_ =	shalt  }
0x78: {  	_ =	shalt  }
0x79: {  	_ =	shalt  }
0x7a: {  	_ =	shalt  }
0x7b: {  	_ =	shalt  }
0x7c: {  	_ =	shalt  }
0x7d: {  	_ =	shalt  }
0x7e: {  	_ =	shalt  }
0x7f: {  	_ =	shalt  }
0x80: {  	_ =	shalt  }
0x81: {  	_ =	shalt  }
0x82: {  	_ =	shalt  }
0x83: {  	_ =	shalt  }
0x84: {  	_ =	shalt  }
0x85: {  	_ =	shalt  }
0x86: {  	_ =	shalt  }
0x87: {  	_ =	shalt  }
.Lfunc_end0:
.L_simem_size_0:
called_computation_lowered:
.L_overlay_start_0:
0x88: {  	s2 =	sld [smem:$0x3FD9]  }
0x89: {  	s3 =	sld [smem:$0x3FFE];
	_ =	sdelay $0x1  }
0x8a: {  	s1 =	srdreg.scid  }
0x8b: {  	s0 =	sand.u32 $0x1, s1  }
0x8c: {  	s17 =	sshll.u32 s0, $0xA;
	s2 =	sadd.s32 s3, s2  }
0x8d: {  	s2 =	sadd.s32 s2, s17  }
0x8e: {  	[smem:$0x3FC5] =	sst s2  }
0x8f: {  	_ = 	snop  }
0x90: {  	s2 =	sld [smem:$0x3FD0];
	(tm) =	ssettm $0x1  }
0x91: {  	s18 =	sld [smem:$0x3FFB];
	_ =	sdelay $0x3  }
0x92: {  	_ =	strace s18  }
0x93: {  	s3 =	sld [smem:$0x3FFC];
	_ =	sdelay $0x3  }
0x94: {  	_ =	strace s3  }
0x95: {  	s3 =	sld [smem:$0x3FFD];
	_ =	sdelay $0x3  }
0x96: {  	_ =	strace s3  }
0x97: {  	_ =	strace $0x8FFFFFFF  }
0x98: {  	s19 =	sld [smem:$0x3FDB];
	_ =	sdelay $0x1  }
0x99: {  	s4 =	simm.s32 $_scs_section_size  }
0x9a: {  	s5 =	simm.s32 $_size__tile_overlayer_lowered;
	s6 =	simm.s32 $_tile_overlayer_lowered  }
0x9b: {  	s22 =	simm.s32 $0x1BFF;
	s21 =	sshll.u32 s6, $0x1;
	s3 =	sadd.s32 s4, s19  }
0x9c: {  	s7 =	simm.s32 $0x0;
	s20 =	sshll.u32 s5, $0x1;
	s5 =	sadd.s32 s21, s3  }
0x9d: {  	[timem:s7], [sflag:s22] =	dma.local [hbm:s5], s20  }
0x9e: {  	_ =	swait.ge [sflag:s22], s20  }
0x9f: {  	s4 =	ssub.s32 $0x0, s20;
	[sflag:s22] =	ssyncset.done $0x0  }
0xa0: {  	[sflag:s22] =	ssyncadd.s32 s4;
	_ =	sdelay $0x1  }
0xa1: {  	s23 =	simm.s32 $0x1B8B  }
0xa2: {  	_ =	swait.ge [sflag:s23], $0x1  }
0xa3: {  	[sflag:s23] =	ssyncset.done $0x0  }
0xa4: {  	s25 =	simm.s32 $0x1B8E;
	s24 =	sld [smem:$0x3FFE];
	[sflag:s23] =	ssyncadd.s32 $0xFFFFFFFF  }
0xa5: {  	s26 =	simm.s32 $execute0_lowered;
	[smem:$0x3FD2] =	sst s25  }
0xa6: {  	s5 =	sshll.u32 s26, $0x1;
	_ =	strace $0x80000046;
	[dreg:$0x1] =	wrdreg $0xFFFFFFFF  }
0xa7: {  	s28 =	simm.s32 $_size_execute0_lowered;
	s3 =	sadd.s32 s3, s5;
	[dreg:$0x0] =	wrdreg $0x0  }
0xa8: {  	s5 =	sshll.u32 s28, $0x1;
	[dreg:$0x2] =	wrdreg s3  }
0xa9: {  	[dreg:$0x3] =	wrdreg s5  }
0xaa: {  	[dreg:$0x4] =	wrdreg $0xC0  }
0xab: {  	_ =	task [dreg:s7], $0x5FFFF  }
0xac: {  	[dreg:$0x1] =	wrdreg $0xFFFFFFFF  }
0xad: {  	[dreg:$0x0] =	wrdreg $0x60  }
0xae: {  	[dreg:$0x2] =	wrdreg s24  }
0xaf: {  	[dreg:$0x3] =	wrdreg s2  }
0xb0: {  	[dreg:$0x4] =	wrdreg $0x9  }
0xb1: {  	_ =	task.clear_ibuf [dreg:s7], $0x5FFFF;
	_ =	strace $0x90000046  }
0xb2: {  	s29 =	simm.s32 $0x9;
	_ =	strace $0x80000048  }
0xb3: {  	_ =	swait.ge [sflag:s29], $0x1  }
0xb4: {  	[sflag:s29] =	ssyncadd.s32 $0xFFFFFFFF  }
0xb5: {  	_ =	strace $0x90000048  }
0xb6: {  	_ =	sfence  }
0xb7: {  	s30 =	sld [smem:$0x0];
	_ =	sdelay $0x2  }
0xb8: {  	s31 =	sshll.u32 s1, $0xD;
	s1 =	sshrl.u32 s1, $0x2  }
0xb9: {  	s3 =	sand.u32 $0x4000, s31;
	s1 =	sadd.s32 s1, s30  }
0xba: {  	s0 =	sor.u32 s3, s0;
	s1 =	sshll.u32 s1, $0x11  }
0xbb: {  	s0 =	sor.u32 s1, s0  }
0xbc: {  	s0 =	sadd.s32 $0x8F2B, s0  }
0xbd: {  	[sflag:s0] =	ssyncadd.remote.s32 $0x1  }
0xbe: {  	_ =	sfence.sel $0xFFFF  }
0xbf: {  	[dreg:$0x0] =	wrdreg $0xFFFFFFFF;
	(pc) =	sbr.abs _section_cstart, $3  }
0xc0: {  	[dreg:$0x1] =	wrdreg $0xFFFFFFFF  }
0xc1: {  	_ =	task.clear_ibuf [dreg:s7], $0x2FFFF;
	_ =	strace $0x9FFFFFFF  }
0xc2: {  	(tm) =	ssettm $0x7FFFFFFF  }
0xc3: {  	_ =	shalt  }
tec
execute0_lowered:
.L_overlay_start_1:
0x0: {  	(tag) =	ssettag $0x1  }
0x1: {  	s0 =	srdreg.scid;
	s2 =	rddreg [dreg:$0x0]  }
0x2: {  	s5 =	stileid.u32;
	s8 =	rddreg [dreg:$0x1]  }
0x3: {  	s3 =	simm.s32 $0x0;
	s17 =	simm.s32 $0x1;
	s18 =	simm.s32 $0x680  }
0x4: {  	s20 =	simm.s32 $0xA900;
	s21 =	simm.s32 $0x2;
	s15 =	simm.s32 $0x11100  }
0x5: {  	s31 =	simm.s32 $0x12100;
	s9 =	simm.s32 $0x14900;
	s10 =	simm.s32 $0x15100  }
0x6: {  	s12 =	simm.s32 $0x15900;
	s13 =	simm.s32 $0x16100;
	s28 =	simm.s32 $0x17100  }
0x7: {  	s30 =	simm.s32 $0x3;
	s14 =	simm.s32 $0x0;
	s0 =	sand.u32 $0x1, s0  }
0x8: {  	s1 =	sshll.u32 s5, $0x1;
	[smem:$0x7FF] =	sst s3;
	s4 =	sadd.s32 $0x4800, s2  }
0x9: {  	s7 =	smul.u32 $0x1A00, s5;
	s5 =	sadd.s32 $0x38800, s2;
	s24 =	sadd.s32 $0x1FBD0, s8  }
0xa: {  	s25 =	sadd.s32 $0x3F7A0, s8;
	s26 =	sadd.s32 $0x5F370, s8;
	s8 =	simm.s32 $0x14100  }
0xb: {  	s1 =	sor.u32 s0, s1;
	_ =	strace $0x80000047;
	[dreg:$0x4] =	wrdreg s24  }
0xc: {  	s22 =	ssub.s32 $0x2, s0;
	s0 =	smul.u32 $0xD00, s0;
	[dreg:$0x5] =	wrdreg s25  }
0xd: {  	[dreg:$0x6] =	wrdreg s26;
	s1 =	smul.u32 $0xD00, s1;
	s6 =	sshrl.u32 s22, $0x1  }
0xe: {  	s25 =	simm.s32 $0x16900;
	s23 =	ssub.s32 s22, s6;
	s11 =	sadd.s32 s0, s7  }
0xf: {  	s22 =	simm.s32 $0x80;
	s6 =	simm.s32 $0x13100;
	s1 =	sshrl.u32 s1, $0x3  }
0x10: {  	s7 =	simm.s32 $0x13900;
	s29 =	smax.u32 s23, $0x1;
	s1 =	sadd.s32 s1, s2  }
0x11: {  	v0 =	vlaneseq.u32;
	s23 =	simm.s32 $0x11900;
	[dreg:$0x7] =	wrdreg s29;
	s1 =	sadd.s32 $0x1400, s1  }
0x12: {  	v0 =	vmul.u32 $0x8, v0;
	s2 =	simm.s32 $0x12900;
	[dreg:$0x3] =	wrdreg s1;
	s1 =	simm.s32 $0x4  }
.LBB2_1:
0x13: {  	s0 =	simm.s32 $0x0;
	s3 =	rddreg [dreg:$0x3];
	s29 =	simm.s32 $0x5  }
0x14: {  	[tilespmem:s0], [sflag:$0x5] =	stream.linear.gather [hbm4b:s3+s0], $0xD00, $0x38;
	[tilespmem:$0x17900] =	vst v63  }
0x15: {  	_ =	swait.ge [sflag:s29], $0xD00  }
0x16: {  	s16 =	simm.s32 $0x40;
	[sflag:s29] =	ssyncset.done $0x0  }
0x17: {  	v1 =	vmov s11;
	s24 =	smov.u32 s11;
	s3 =	simm.s32 $0x0;
	[sflag:s29] =	ssyncadd.s32 $0xFFFFF300  }
.LBB2_2:
0x18: {  	p0 =	sne.s32 s16, $0x33C0;
	v1 =	vshrl.u32 v1, $0xC;
	v2 =	vld [tilespmem:s3+$0x0]  }
0x19: {  	v1 =	vmul.u32 $0x9C40, v1  }
.Ltmp0:
0x1a: {  	(pc) =	sbr.rel @p0 .LBB2_2-.Ltmp0, $3  }
0x1b: {  	v1 =	vbroadcast v1, $0x0;
	_ =	sdelay $0x1  }
0x1c: {  	s24 =	sadd.s32 $0x10, s24;
	v2 =	vadd.s32 v1, v2  }
0x1d: {  	v1 =	vmov s24;
	[tilespmem:s3+$0x0] =	vst v2;
	s3 =	sshra.s32 s16, $0x2;
	s16 =	sadd.s32 $0x40, s16  }
0x1e: {  	v1 =	vshrl.u32 v1, $0xC;
	v2 =	vld [tilespmem:s3+$0x0]  }
0x1f: {  	v1 =	vmul.u32 $0x9C40, v1;
	_ =	sdelay $0x1  }
0x20: {  	v1 =	vbroadcast v1, $0x0;
	_ =	sdelay $0x1  }
0x21: {  	v1 =	vadd.s32 v1, v2  }
0x22: {  	s16 =	simm.s32 $0x0;
	s0 =	rddreg [dreg:$0x1];
	s19 =	simm.s32 $0xD00;
	[tilespmem:s3+$0x0] =	vst v1  }
0x23: {  	[tilespmem:s19], [sflag:$0x1] =	stream.indirect.gather [hbm4b:s0+s19], $0x1, s16, s19, $0xb8;
	[tilespmem:$0x17900] =	vst v63  }
0x24: {  	s24 =	rddreg [dreg:$0x4];
	s26 =	simm.s32 $0x1A00  }
0x25: {  	[tilespmem:s26], [sflag:$0x1] =	stream.indirect.gather [hbm4b:s24+s19], $0x1, s16, s19, $0xb8;
	[tilespmem:$0x17900] =	vst v63  }
0x26: {  	s0 =	sadd.s32 $0x0, s11;
	s24 =	rddreg [dreg:$0x5];
	s26 =	simm.s32 $0x2700  }
0x27: {  	v1 =	vmov s0;
	[tilespmem:s26], [sflag:$0x1] =	stream.indirect.gather [hbm4b:s24+s19], $0x1, s16, s19, $0xb8;
	[tilespmem:$0x17900] =	vst v63  }
0x28: {  	v2 =	vshll.u32 v1, $0x3;
	v3 =	vshll.u32 v1, $0x2;
	v1 =	vshrl.u32 v1, $0x9;
	s24 =	rddreg [dreg:$0x6];
	s26 =	simm.s32 $0x3400  }
0x29: {  	v3 =	vand.u32 $0x7FFFC000, v3;
	v2 =	vor.u32 v0, v2;
	v4 =	vand.u32 $0x4, v1;
	[tilespmem:s26], [sflag:$0x1] =	stream.indirect.gather [hbm4b:s24+s19], $0x1, s16, s19, $0xb8;
	[tilespmem:$0x17900] =	vst v63  }
0x2a: {  	s29 =	simm.s32 $0x0;
	s3 =	simm.s32 $0x40;
	v1 =	vand.u32 $0x3FF8, v2;
	v2 =	vor.u32 v3, v4;
	s24 =	simm.s32 $0x10  }
.LBB2_4:
0x2b: {  	s0 =	sadd.s32 s24, s11;
	s19 =	sand.u32 $0x70, s16;
	s29 =	sand.u32 $0xF80, s29  }
0x2c: {  	v3 =	vor.u32 v1, v2;
	s26 =	smov.u32 s3;
	s16 =	smov.u32 s24;
	p0 =	sne.s32 s3, $0x33C0  }
.Ltmp1:
0x2d: {  	s3 =	sadd.s32 $0x40, s3;
	s19 =	sor.u32 s19, s29;
	v1 =	vor.u32 $0x1, v3;
	v2 =	vor.u32 $0x2, v3;
	v4 =	vor.u32 $0x3, v3;
	(pc) =	sbr.rel @p0 .LBB2_4-.Ltmp1, $4  }
0x2e: {  	v5 =	vmov s0;
	[tilespmem:s19+$0x9C00] =	vst v4  }
0x2f: {  	v4 =	vshll.u32 v5, $0x3;
	v6 =	vshll.u32 v5, $0x2;
	v5 =	vshrl.u32 v5, $0x9;
	[tilespmem:s19+$0x8200] =	vst v1  }
0x30: {  	v6 =	vand.u32 $0x7FFFC000, v6;
	v1 =	vor.u32 v0, v4;
	v4 =	vand.u32 $0x4, v5;
	[tilespmem:s19+$0x8F00] =	vst v2  }
0x31: {  	s24 =	sadd.s32 $0x10, s24;
	s29 =	sshrl.u32 s26, $0x2;
	v1 =	vand.u32 $0x3FF8, v1;
	v2 =	vor.u32 v6, v4;
	[tilespmem:s19+$0x7500] =	vst v3  }
0x32: {  	v1 =	vor.u32 v1, v2;
	s0 =	sand.u32 $0x70, s16;
	s3 =	sand.u32 $0xF80, s29  }
0x33: {  	s0 =	sor.u32 s0, s3;
	v2 =	vor.u32 $0x3, v1  }
0x34: {  	v3 =	vor.u32 $0x1, v1;
	[tilespmem:s0+$0x9C00] =	vst v2  }
0x35: {  	[tilespmem:s0+$0x8200] =	vst v3  }
0x36: {  	v2 =	vor.u32 $0x2, v1;
	[tilespmem:s0+$0x7500] =	vst v1  }
0x37: {  	[tilespmem:s0+$0x8F00] =	vst v2  }
0x38: {  	_ =	swait.ge [sflag:s17], $0xD00  }
0x39: {  	[sflag:s17] =	ssyncset.done $0x0  }
0x3a: {  	s3 =	simm.s32 $0x0;
	[sflag:s17] =	ssyncadd.s32 $0xFFFFF300  }
0x3b: {  	v2 =	vld [tilespmem:s3+$0xD00];
	_ =	sdelay $0x1  }
0x3c: {  	v1 =	vmov s11  }
0x3d: {  	v1 =	vand.u32 $0xFFFFF000, v1  }
0x3e: {  	s16 =	simm.s32 $0x40;
	s24 =	smov.u32 s11;
	v3 =	vbroadcast v1, $0x0  }
.LBB2_6:
0x3f: {  	s0 =	sshra.s32 s16, $0x2;
	p0 =	sne.s32 s16, $0x33C0;
	s16 =	sadd.s32 $0x40, s16;
	v4 =	vshll.u32 v2, $0x2  }
.Ltmp2:
0x40: {  	v2 =	vld [tilespmem:s0+$0xD00];
	v3 =	vadd.s32 v3, v4;
	(pc) =	sbr.rel @p0 .LBB2_6-.Ltmp2, $4  }
0x41: {  	s24 =	sadd.s32 $0x10, s24;
	[tilespmem:s3+$0x4100] =	vst v3;
	s3 =	smov.u32 s0  }
0x42: {  	v3 =	vmov s24  }
0x43: {  	v3 =	vand.u32 $0xFFFFF000, v3  }
0x44: {  	v3 =	vbroadcast v3, $0x0  }
0x45: {  	v2 =	vshll.u32 v2, $0x2  }
0x46: {  	v2 =	vadd.s32 v3, v2  }
0x47: {  	s0 =	simm.s32 $0x4100;
	[tilespmem:s3+$0x4100] =	vst v2  }
0x48: {  	[tilespmem:s20], [sflag:$0x2] =	stream.indirect.gather [hbm4b:s4+s18], $0x10, s0, s18, $0xb8;
	[tilespmem:$0x17900] =	vst v63  }
0x49: {  	_ =	swait.ge [sflag:s21], $0x6800  }
0x4a: {  	[sflag:s21] =	ssyncset.done $0x0  }
0x4b: {  	s3 =	simm.s32 $0x7500;
	[sflag:s21] =	ssyncadd.s32 $0xFFFF9800  }
0x4c: {  	[hbm4b:s5+s22] =	stream.indirect.scatter [tilespmem:s20], [sflag:$0x3], $0x10, s3, s22, $0xb8;
	[tilespmem:$0x17900] =	vst v63  }
0x4d: {  	s16 =	simm.s32 $0x7580;
	s19 =	simm.s32 $0xB100  }
0x4e: {  	[hbm4b:s5+s22] =	stream.indirect.scatter [tilespmem:s19], [sflag:$0x3], $0x10, s16, s22, $0xb8;
	[tilespmem:$0x17900] =	vst v63  }
0x4f: {  	s24 =	simm.s32 $0x7600;
	s26 =	simm.s32 $0xB900  }
0x50: {  	[hbm4b:s5+s22] =	stream.indirect.scatter [tilespmem:s26], [sflag:$0x3], $0x10, s24, s22, $0xb8;
	[tilespmem:$0x17900] =	vst v63  }
0x51: {  	s29 =	simm.s32 $0xC100;
	s3 =	simm.s32 $0x7680  }
0x52: {  	[hbm4b:s5+s22] =	stream.indirect.scatter [tilespmem:s29], [sflag:$0x3], $0x10, s3, s22, $0xb8;
	[tilespmem:$0x17900] =	vst v63  }
0x53: {  	s16 =	simm.s32 $0x7700;
	s24 =	simm.s32 $0xC900  }
0x54: {  	[hbm4b:s5+s22] =	stream.indirect.scatter [tilespmem:s24], [sflag:$0x3], $0x10, s16, s22, $0xb8;
	[tilespmem:$0x17900] =	vst v63  }
0x55: {  	s16 =	simm.s32 $0x7780;
	s24 =	simm.s32 $0xD100  }
0x56: {  	[hbm4b:s5+s22] =	stream.indirect.scatter [tilespmem:s24], [sflag:$0x3], $0x10, s16, s22, $0xb8;
	[tilespmem:$0x17900] =	vst v63  }
0x57: {  	s16 =	simm.s32 $0x7800;
	s24 =	simm.s32 $0xD900  }
0x58: {  	[hbm4b:s5+s22] =	stream.indirect.scatter [tilespmem:s24], [sflag:$0x3], $0x10, s16, s22, $0xb8;
	[tilespmem:$0x17900] =	vst v63  }
0x59: {  	s16 =	simm.s32 $0x7880;
	s24 =	simm.s32 $0xE100  }
0x5a: {  	[hbm4b:s5+s22] =	stream.indirect.scatter [tilespmem:s24], [sflag:$0x3], $0x10, s16, s22, $0xb8;
	[tilespmem:$0x17900] =	vst v63  }
0x5b: {  	s16 =	simm.s32 $0x7900;
	s24 =	simm.s32 $0xE900  }
0x5c: {  	[hbm4b:s5+s22] =	stream.indirect.scatter [tilespmem:s24], [sflag:$0x3], $0x10, s16, s22, $0xb8;
	[tilespmem:$0x17900] =	vst v63  }
0x5d: {  	s16 =	simm.s32 $0x7980;
	s24 =	simm.s32 $0xF100  }
0x5e: {  	[hbm4b:s5+s22] =	stream.indirect.scatter [tilespmem:s24], [sflag:$0x3], $0x10, s16, s22, $0xb8;
	[tilespmem:$0x17900] =	vst v63  }
0x5f: {  	s16 =	simm.s32 $0x7A00;
	s24 =	simm.s32 $0xF900  }
0x60: {  	[hbm4b:s5+s22] =	stream.indirect.scatter [tilespmem:s24], [sflag:$0x3], $0x10, s16, s22, $0xb8;
	[tilespmem:$0x17900] =	vst v63  }
0x61: {  	s16 =	simm.s32 $0x7A80;
	s24 =	simm.s32 $0x10100  }
0x62: {  	[hbm4b:s5+s22] =	stream.indirect.scatter [tilespmem:s24], [sflag:$0x3], $0x10, s16, s22, $0xb8;
	[tilespmem:$0x17900] =	vst v63  }
0x63: {  	s3 =	simm.s32 $0x7B00;
	s16 =	simm.s32 $0x10900  }
0x64: {  	[hbm4b:s5+s22] =	stream.indirect.scatter [tilespmem:s16], [sflag:$0x3], $0x10, s3, s22, $0xb8;
	[tilespmem:$0x17900] =	vst v63  }
0x65: {  	s24 =	simm.s32 $0x4780  }
0x66: {  	[tilespmem:s15], [sflag:$0x2] =	stream.indirect.gather [hbm4b:s4+s18], $0x10, s24, s18, $0xb8;
	[tilespmem:$0x17900] =	vst v63  }
0x67: {  	_ =	swait.ge [sflag:s17], $0xD00  }
0x68: {  	[sflag:s17] =	ssyncset.done $0x0  }
0x69: {  	s3 =	simm.s32 $0x0;
	[sflag:s17] =	ssyncadd.s32 $0xFFFFF300  }
0x6a: {  	v2 =	vld [tilespmem:s3+$0x1A00];
	_ =	sdelay $0x3  }
0x6b: {  	v3 =	vbroadcast v1, $0x0;
	s16 =	simm.s32 $0x40;
	s24 =	smov.u32 s11  }
.LBB2_8:
0x6c: {  	s0 =	sshra.s32 s16, $0x2;
	p0 =	sne.s32 s16, $0x33C0;
	s16 =	sadd.s32 $0x40, s16;
	v4 =	vshll.u32 v2, $0x2  }
.Ltmp3:
0x6d: {  	v2 =	vld [tilespmem:s0+$0x1A00];
	v3 =	vadd.s32 v3, v4;
	(pc) =	sbr.rel @p0 .LBB2_8-.Ltmp3, $4  }
0x6e: {  	s24 =	sadd.s32 $0x10, s24;
	v3 =	vor.u32 $0x1, v3  }
0x6f: {  	v4 =	vmov s24;
	[tilespmem:s3+$0x4E00] =	vst v3;
	s3 =	smov.u32 s0  }
0x70: {  	v3 =	vand.u32 $0xFFFFF000, v4  }
0x71: {  	v3 =	vbroadcast v3, $0x0  }
0x72: {  	v2 =	vshll.u32 v2, $0x2  }
0x73: {  	v2 =	vadd.s32 v3, v2  }
0x74: {  	v2 =	vor.u32 $0x1, v2  }
0x75: {  	[tilespmem:s3+$0x4E00] =	vst v2  }
0x76: {  	_ =	swait.ge [sflag:s21], $0x6800  }
0x77: {  	[sflag:s21] =	ssyncset.done $0x0  }
0x78: {  	s0 =	simm.s32 $0x7B80;
	[sflag:s21] =	ssyncadd.s32 $0xFFFF9800  }
0x79: {  	[hbm4b:s5+s22] =	stream.indirect.scatter [tilespmem:s15], [sflag:$0x4], $0x10, s0, s22, $0xb8;
	[tilespmem:$0x17900] =	vst v63  }
0x7a: {  	s24 =	simm.s32 $0x7C00  }
0x7b: {  	[hbm4b:s5+s22] =	stream.indirect.scatter [tilespmem:s23], [sflag:$0x4], $0x10, s24, s22, $0xb8;
	[tilespmem:$0x17900] =	vst v63  }
0x7c: {  	s3 =	simm.s32 $0x7C80  }
0x7d: {  	[hbm4b:s5+s22] =	stream.indirect.scatter [tilespmem:s31], [sflag:$0x4], $0x10, s3, s22, $0xb8;
	[tilespmem:$0x17900] =	vst v63  }
0x7e: {  	s16 =	simm.s32 $0x7D00  }
0x7f: {  	[hbm4b:s5+s22] =	stream.indirect.scatter [tilespmem:s2], [sflag:$0x4], $0x10, s16, s22, $0xb8;
	[tilespmem:$0x17900] =	vst v63  }
0x80: {  	s24 =	simm.s32 $0x7D80  }
0x81: {  	[hbm4b:s5+s22] =	stream.indirect.scatter [tilespmem:s6], [sflag:$0x4], $0x10, s24, s22, $0xb8;
	[tilespmem:$0x17900] =	vst v63  }
0x82: {  	s3 =	simm.s32 $0x7E00  }
0x83: {  	[hbm4b:s5+s22] =	stream.indirect.scatter [tilespmem:s7], [sflag:$0x4], $0x10, s3, s22, $0xb8;
	[tilespmem:$0x17900] =	vst v63  }
0x84: {  	s16 =	simm.s32 $0x7E80  }
0x85: {  	[hbm4b:s5+s22] =	stream.indirect.scatter [tilespmem:s8], [sflag:$0x4], $0x10, s16, s22, $0xb8;
	[tilespmem:$0x17900] =	vst v63  }
0x86: {  	s24 =	simm.s32 $0x7F00  }
0x87: {  	[hbm4b:s5+s22] =	stream.indirect.scatter [tilespmem:s9], [sflag:$0x4], $0x10, s24, s22, $0xb8;
	[tilespmem:$0x17900] =	vst v63  }
0x88: {  	s3 =	simm.s32 $0x7F80  }
0x89: {  	[hbm4b:s5+s22] =	stream.indirect.scatter [tilespmem:s10], [sflag:$0x4], $0x10, s3, s22, $0xb8;
	[tilespmem:$0x17900] =	vst v63  }
0x8a: {  	s16 =	simm.s32 $0x8000  }
0x8b: {  	[hbm4b:s5+s22] =	stream.indirect.scatter [tilespmem:s12], [sflag:$0x4], $0x10, s16, s22, $0xb8;
	[tilespmem:$0x17900] =	vst v63  }
0x8c: {  	s24 =	simm.s32 $0x8080  }
0x8d: {  	[hbm4b:s5+s22] =	stream.indirect.scatter [tilespmem:s13], [sflag:$0x4], $0x10, s24, s22, $0xb8;
	[tilespmem:$0x17900] =	vst v63  }
0x8e: {  	s3 =	simm.s32 $0x8100  }
0x8f: {  	[hbm4b:s5+s22] =	stream.indirect.scatter [tilespmem:s25], [sflag:$0x4], $0x10, s3, s22, $0xb8;
	[tilespmem:$0x17900] =	vst v63  }
0x90: {  	s16 =	simm.s32 $0x8180  }
0x91: {  	[hbm4b:s5+s22] =	stream.indirect.scatter [tilespmem:s28], [sflag:$0x4], $0x10, s16, s22, $0xb8;
	[tilespmem:$0x17900] =	vst v63  }
0x92: {  	_ =	swait.ge [sflag:s30], $0x800  }
0x93: {  	[sflag:s30] =	ssyncset.done $0x0  }
0x94: {  	[sflag:s30] =	ssyncadd.s32 $0xFFFFF800  }
0x95: {  	_ =	swait.ge [sflag:s30], $0x800  }
0x96: {  	[sflag:s30] =	ssyncset.done $0x0  }
0x97: {  	[sflag:s30] =	ssyncadd.s32 $0xFFFFF800  }
0x98: {  	_ =	swait.ge [sflag:s30], $0x800  }
0x99: {  	[sflag:s30] =	ssyncset.done $0x0  }
0x9a: {  	[sflag:s30] =	ssyncadd.s32 $0xFFFFF800  }
0x9b: {  	_ =	swait.ge [sflag:s30], $0x800  }
0x9c: {  	[sflag:s30] =	ssyncset.done $0x0  }
0x9d: {  	[sflag:s30] =	ssyncadd.s32 $0xFFFFF800  }
0x9e: {  	_ =	swait.ge [sflag:s30], $0x800  }
0x9f: {  	[sflag:s30] =	ssyncset.done $0x0  }
0xa0: {  	[sflag:s30] =	ssyncadd.s32 $0xFFFFF800  }
0xa1: {  	_ =	swait.ge [sflag:s30], $0x800  }
0xa2: {  	[sflag:s30] =	ssyncset.done $0x0  }
0xa3: {  	[sflag:s30] =	ssyncadd.s32 $0xFFFFF800  }
0xa4: {  	_ =	swait.ge [sflag:s30], $0x800  }
0xa5: {  	[sflag:s30] =	ssyncset.done $0x0  }
0xa6: {  	[sflag:s30] =	ssyncadd.s32 $0xFFFFF800  }
0xa7: {  	_ =	swait.ge [sflag:s30], $0x800  }
0xa8: {  	[sflag:s30] =	ssyncset.done $0x0  }
0xa9: {  	[sflag:s30] =	ssyncadd.s32 $0xFFFFF800  }
0xaa: {  	_ =	swait.ge [sflag:s30], $0x800  }
0xab: {  	[sflag:s30] =	ssyncset.done $0x0  }
0xac: {  	[sflag:s30] =	ssyncadd.s32 $0xFFFFF800  }
0xad: {  	_ =	swait.ge [sflag:s30], $0x800  }
0xae: {  	[sflag:s30] =	ssyncset.done $0x0  }
0xaf: {  	[sflag:s30] =	ssyncadd.s32 $0xFFFFF800  }
0xb0: {  	_ =	swait.ge [sflag:s30], $0x800  }
0xb1: {  	[sflag:s30] =	ssyncset.done $0x0  }
0xb2: {  	[sflag:s30] =	ssyncadd.s32 $0xFFFFF800  }
0xb3: {  	_ =	swait.ge [sflag:s30], $0x800  }
0xb4: {  	[sflag:s30] =	ssyncset.done $0x0  }
0xb5: {  	[sflag:s30] =	ssyncadd.s32 $0xFFFFF800  }
0xb6: {  	_ =	swait.ge [sflag:s30], $0x800  }
0xb7: {  	[sflag:s30] =	ssyncset.done $0x0  }
0xb8: {  	s24 =	simm.s32 $0x4E00;
	[sflag:s30] =	ssyncadd.s32 $0xFFFFF800  }
0xb9: {  	[tilespmem:s20], [sflag:$0x2] =	stream.indirect.gather [hbm4b:s4+s18], $0x10, s24, s18, $0xb8;
	[tilespmem:$0x17900] =	vst v63  }
0xba: {  	_ =	swait.ge [sflag:s21], $0x6800  }
0xbb: {  	[sflag:s21] =	ssyncset.done $0x0  }
0xbc: {  	s3 =	simm.s32 $0x8200;
	[sflag:s21] =	ssyncadd.s32 $0xFFFF9800  }
0xbd: {  	[hbm4b:s5+s22] =	stream.indirect.scatter [tilespmem:s20], [sflag:$0x3], $0x10, s3, s22, $0xb8;
	[tilespmem:$0x17900] =	vst v63  }
0xbe: {  	s16 =	simm.s32 $0x8280  }
0xbf: {  	[hbm4b:s5+s22] =	stream.indirect.scatter [tilespmem:s19], [sflag:$0x3], $0x10, s16, s22, $0xb8;
	[tilespmem:$0x17900] =	vst v63  }
0xc0: {  	s24 =	simm.s32 $0x8300  }
0xc1: {  	[hbm4b:s5+s22] =	stream.indirect.scatter [tilespmem:s26], [sflag:$0x3], $0x10, s24, s22, $0xb8;
	[tilespmem:$0x17900] =	vst v63  }
0xc2: {  	s3 =	simm.s32 $0x8380  }
0xc3: {  	[hbm4b:s5+s22] =	stream.indirect.scatter [tilespmem:s29], [sflag:$0x3], $0x10, s3, s22, $0xb8;
	[tilespmem:$0x17900] =	vst v63  }
0xc4: {  	s16 =	simm.s32 $0xC900;
	s24 =	simm.s32 $0x8400  }
0xc5: {  	[hbm4b:s5+s22] =	stream.indirect.scatter [tilespmem:s16], [sflag:$0x3], $0x10, s24, s22, $0xb8;
	[tilespmem:$0x17900] =	vst v63  }
0xc6: {  	s16 =	simm.s32 $0xD100;
	s24 =	simm.s32 $0x8480  }
0xc7: {  	[hbm4b:s5+s22] =	stream.indirect.scatter [tilespmem:s16], [sflag:$0x3], $0x10, s24, s22, $0xb8;
	[tilespmem:$0x17900] =	vst v63  }
0xc8: {  	s16 =	simm.s32 $0xD900;
	s24 =	simm.s32 $0x8500  }
0xc9: {  	[hbm4b:s5+s22] =	stream.indirect.scatter [tilespmem:s16], [sflag:$0x3], $0x10, s24, s22, $0xb8;
	[tilespmem:$0x17900] =	vst v63  }
0xca: {  	s16 =	simm.s32 $0xE100;
	s24 =	simm.s32 $0x8580  }
0xcb: {  	[hbm4b:s5+s22] =	stream.indirect.scatter [tilespmem:s16], [sflag:$0x3], $0x10, s24, s22, $0xb8;
	[tilespmem:$0x17900] =	vst v63  }
0xcc: {  	s16 =	simm.s32 $0xE900;
	s24 =	simm.s32 $0x8600  }
0xcd: {  	[hbm4b:s5+s22] =	stream.indirect.scatter [tilespmem:s16], [sflag:$0x3], $0x10, s24, s22, $0xb8;
	[tilespmem:$0x17900] =	vst v63  }
0xce: {  	s16 =	simm.s32 $0xF100;
	s24 =	simm.s32 $0x8680  }
0xcf: {  	[hbm4b:s5+s22] =	stream.indirect.scatter [tilespmem:s16], [sflag:$0x3], $0x10, s24, s22, $0xb8;
	[tilespmem:$0x17900] =	vst v63  }
0xd0: {  	s16 =	simm.s32 $0xF900;
	s24 =	simm.s32 $0x8700  }
0xd1: {  	[hbm4b:s5+s22] =	stream.indirect.scatter [tilespmem:s16], [sflag:$0x3], $0x10, s24, s22, $0xb8;
	[tilespmem:$0x17900] =	vst v63  }
0xd2: {  	s16 =	simm.s32 $0x10100;
	s24 =	simm.s32 $0x8780  }
0xd3: {  	[hbm4b:s5+s22] =	stream.indirect.scatter [tilespmem:s16], [sflag:$0x3], $0x10, s24, s22, $0xb8;
	[tilespmem:$0x17900] =	vst v63  }
0xd4: {  	s3 =	simm.s32 $0x10900;
	s16 =	simm.s32 $0x8800  }
0xd5: {  	[hbm4b:s5+s22] =	stream.indirect.scatter [tilespmem:s3], [sflag:$0x3], $0x10, s16, s22, $0xb8;
	[tilespmem:$0x17900] =	vst v63  }
0xd6: {  	_ =	swait.ge [sflag:s1], $0x800  }
0xd7: {  	[sflag:s1] =	ssyncset.done $0x0  }
0xd8: {  	[sflag:s1] =	ssyncadd.s32 $0xFFFFF800  }
0xd9: {  	_ =	swait.ge [sflag:s1], $0x800  }
0xda: {  	[sflag:s1] =	ssyncset.done $0x0  }
0xdb: {  	[sflag:s1] =	ssyncadd.s32 $0xFFFFF800  }
0xdc: {  	_ =	swait.ge [sflag:s1], $0x800  }
0xdd: {  	[sflag:s1] =	ssyncset.done $0x0  }
0xde: {  	[sflag:s1] =	ssyncadd.s32 $0xFFFFF800  }
0xdf: {  	_ =	swait.ge [sflag:s1], $0x800  }
0xe0: {  	[sflag:s1] =	ssyncset.done $0x0  }
0xe1: {  	[sflag:s1] =	ssyncadd.s32 $0xFFFFF800  }
0xe2: {  	_ =	swait.ge [sflag:s1], $0x800  }
0xe3: {  	[sflag:s1] =	ssyncset.done $0x0  }
0xe4: {  	[sflag:s1] =	ssyncadd.s32 $0xFFFFF800  }
0xe5: {  	_ =	swait.ge [sflag:s1], $0x800  }
0xe6: {  	[sflag:s1] =	ssyncset.done $0x0  }
0xe7: {  	[sflag:s1] =	ssyncadd.s32 $0xFFFFF800  }
0xe8: {  	_ =	swait.ge [sflag:s1], $0x800  }
0xe9: {  	[sflag:s1] =	ssyncset.done $0x0  }
0xea: {  	[sflag:s1] =	ssyncadd.s32 $0xFFFFF800  }
0xeb: {  	_ =	swait.ge [sflag:s1], $0x800  }
0xec: {  	[sflag:s1] =	ssyncset.done $0x0  }
0xed: {  	[sflag:s1] =	ssyncadd.s32 $0xFFFFF800  }
0xee: {  	_ =	swait.ge [sflag:s1], $0x800  }
0xef: {  	[sflag:s1] =	ssyncset.done $0x0  }
0xf0: {  	[sflag:s1] =	ssyncadd.s32 $0xFFFFF800  }
0xf1: {  	_ =	swait.ge [sflag:s1], $0x800  }
0xf2: {  	[sflag:s1] =	ssyncset.done $0x0  }
0xf3: {  	[sflag:s1] =	ssyncadd.s32 $0xFFFFF800  }
0xf4: {  	_ =	swait.ge [sflag:s1], $0x800  }
0xf5: {  	[sflag:s1] =	ssyncset.done $0x0  }
0xf6: {  	[sflag:s1] =	ssyncadd.s32 $0xFFFFF800  }
0xf7: {  	_ =	swait.ge [sflag:s1], $0x800  }
0xf8: {  	[sflag:s1] =	ssyncset.done $0x0  }
0xf9: {  	[sflag:s1] =	ssyncadd.s32 $0xFFFFF800  }
0xfa: {  	_ =	swait.ge [sflag:s1], $0x800  }
0xfb: {  	[sflag:s1] =	ssyncset.done $0x0  }
0xfc: {  	s24 =	simm.s32 $0x5480;
	[sflag:s1] =	ssyncadd.s32 $0xFFFFF800  }
0xfd: {  	[tilespmem:s15], [sflag:$0x2] =	stream.indirect.gather [hbm4b:s4+s18], $0x10, s24, s18, $0xb8;
	[tilespmem:$0x17900] =	vst v63  }
0xfe: {  	_ =	swait.ge [sflag:s17], $0xD00  }
0xff: {  	[sflag:s17] =	ssyncset.done $0x0  }
0x100: {  	s3 =	simm.s32 $0x0;
	[sflag:s17] =	ssyncadd.s32 $0xFFFFF300  }
0x101: {  	v2 =	vld [tilespmem:s3+$0x2700];
	_ =	sdelay $0x3  }
0x102: {  	v3 =	vbroadcast v1, $0x0;
	s16 =	simm.s32 $0x40;
	s24 =	smov.u32 s11  }
.LBB2_10:
0x103: {  	s0 =	sshra.s32 s16, $0x2;
	p0 =	sne.s32 s16, $0x33C0;
	s16 =	sadd.s32 $0x40, s16;
	v4 =	vshll.u32 v2, $0x2  }
.Ltmp4:
0x104: {  	v2 =	vld [tilespmem:s0+$0x2700];
	v3 =	vadd.s32 v3, v4;
	(pc) =	sbr.rel @p0 .LBB2_10-.Ltmp4, $4  }
0x105: {  	s24 =	sadd.s32 $0x10, s24;
	v3 =	vor.u32 $0x2, v3  }
0x106: {  	v4 =	vmov s24;
	[tilespmem:s3+$0x5B00] =	vst v3;
	s3 =	smov.u32 s0  }
0x107: {  	v3 =	vand.u32 $0xFFFFF000, v4  }
0x108: {  	v3 =	vbroadcast v3, $0x0  }
0x109: {  	v2 =	vshll.u32 v2, $0x2  }
0x10a: {  	v2 =	vadd.s32 v3, v2  }
0x10b: {  	v2 =	vor.u32 $0x2, v2  }
0x10c: {  	[tilespmem:s3+$0x5B00] =	vst v2  }
0x10d: {  	_ =	swait.ge [sflag:s21], $0x6800  }
0x10e: {  	[sflag:s21] =	ssyncset.done $0x0  }
0x10f: {  	s0 =	simm.s32 $0x8880;
	[sflag:s21] =	ssyncadd.s32 $0xFFFF9800  }
0x110: {  	[hbm4b:s5+s22] =	stream.indirect.scatter [tilespmem:s15], [sflag:$0x4], $0x10, s0, s22, $0xb8;
	[tilespmem:$0x17900] =	vst v63  }
0x111: {  	s24 =	simm.s32 $0x8900  }
0x112: {  	[hbm4b:s5+s22] =	stream.indirect.scatter [tilespmem:s23], [sflag:$0x4], $0x10, s24, s22, $0xb8;
	[tilespmem:$0x17900] =	vst v63  }
0x113: {  	s3 =	simm.s32 $0x8980  }
0x114: {  	[hbm4b:s5+s22] =	stream.indirect.scatter [tilespmem:s31], [sflag:$0x4], $0x10, s3, s22, $0xb8;
	[tilespmem:$0x17900] =	vst v63  }
0x115: {  	s16 =	simm.s32 $0x8A00  }
0x116: {  	[hbm4b:s5+s22] =	stream.indirect.scatter [tilespmem:s2], [sflag:$0x4], $0x10, s16, s22, $0xb8;
	[tilespmem:$0x17900] =	vst v63  }
0x117: {  	s24 =	simm.s32 $0x8A80  }
0x118: {  	[hbm4b:s5+s22] =	stream.indirect.scatter [tilespmem:s6], [sflag:$0x4], $0x10, s24, s22, $0xb8;
	[tilespmem:$0x17900] =	vst v63  }
0x119: {  	s3 =	simm.s32 $0x8B00  }
0x11a: {  	[hbm4b:s5+s22] =	stream.indirect.scatter [tilespmem:s7], [sflag:$0x4], $0x10, s3, s22, $0xb8;
	[tilespmem:$0x17900] =	vst v63  }
0x11b: {  	s16 =	simm.s32 $0x8B80  }
0x11c: {  	[hbm4b:s5+s22] =	stream.indirect.scatter [tilespmem:s8], [sflag:$0x4], $0x10, s16, s22, $0xb8;
	[tilespmem:$0x17900] =	vst v63  }
0x11d: {  	s24 =	simm.s32 $0x8C00  }
0x11e: {  	[hbm4b:s5+s22] =	stream.indirect.scatter [tilespmem:s9], [sflag:$0x4], $0x10, s24, s22, $0xb8;
	[tilespmem:$0x17900] =	vst v63  }
0x11f: {  	s3 =	simm.s32 $0x8C80  }
0x120: {  	[hbm4b:s5+s22] =	stream.indirect.scatter [tilespmem:s10], [sflag:$0x4], $0x10, s3, s22, $0xb8;
	[tilespmem:$0x17900] =	vst v63  }
0x121: {  	s16 =	simm.s32 $0x8D00  }
0x122: {  	[hbm4b:s5+s22] =	stream.indirect.scatter [tilespmem:s12], [sflag:$0x4], $0x10, s16, s22, $0xb8;
	[tilespmem:$0x17900] =	vst v63  }
0x123: {  	s24 =	simm.s32 $0x8D80  }
0x124: {  	[hbm4b:s5+s22] =	stream.indirect.scatter [tilespmem:s13], [sflag:$0x4], $0x10, s24, s22, $0xb8;
	[tilespmem:$0x17900] =	vst v63  }
0x125: {  	s3 =	simm.s32 $0x8E00  }
0x126: {  	[hbm4b:s5+s22] =	stream.indirect.scatter [tilespmem:s25], [sflag:$0x4], $0x10, s3, s22, $0xb8;
	[tilespmem:$0x17900] =	vst v63  }
0x127: {  	s16 =	simm.s32 $0x8E80  }
0x128: {  	[hbm4b:s5+s22] =	stream.indirect.scatter [tilespmem:s28], [sflag:$0x4], $0x10, s16, s22, $0xb8;
	[tilespmem:$0x17900] =	vst v63  }
0x129: {  	_ =	swait.ge [sflag:s30], $0x800  }
0x12a: {  	[sflag:s30] =	ssyncset.done $0x0  }
0x12b: {  	[sflag:s30] =	ssyncadd.s32 $0xFFFFF800  }
0x12c: {  	_ =	swait.ge [sflag:s30], $0x800  }
0x12d: {  	[sflag:s30] =	ssyncset.done $0x0  }
0x12e: {  	[sflag:s30] =	ssyncadd.s32 $0xFFFFF800  }
0x12f: {  	_ =	swait.ge [sflag:s30], $0x800  }
0x130: {  	[sflag:s30] =	ssyncset.done $0x0  }
0x131: {  	[sflag:s30] =	ssyncadd.s32 $0xFFFFF800  }
0x132: {  	_ =	swait.ge [sflag:s30], $0x800  }
0x133: {  	[sflag:s30] =	ssyncset.done $0x0  }
0x134: {  	[sflag:s30] =	ssyncadd.s32 $0xFFFFF800  }
0x135: {  	_ =	swait.ge [sflag:s30], $0x800  }
0x136: {  	[sflag:s30] =	ssyncset.done $0x0  }
0x137: {  	[sflag:s30] =	ssyncadd.s32 $0xFFFFF800  }
0x138: {  	_ =	swait.ge [sflag:s30], $0x800  }
0x139: {  	[sflag:s30] =	ssyncset.done $0x0  }
0x13a: {  	[sflag:s30] =	ssyncadd.s32 $0xFFFFF800  }
0x13b: {  	_ =	swait.ge [sflag:s30], $0x800  }
0x13c: {  	[sflag:s30] =	ssyncset.done $0x0  }
0x13d: {  	[sflag:s30] =	ssyncadd.s32 $0xFFFFF800  }
0x13e: {  	_ =	swait.ge [sflag:s30], $0x800  }
0x13f: {  	[sflag:s30] =	ssyncset.done $0x0  }
0x140: {  	[sflag:s30] =	ssyncadd.s32 $0xFFFFF800  }
0x141: {  	_ =	swait.ge [sflag:s30], $0x800  }
0x142: {  	[sflag:s30] =	ssyncset.done $0x0  }
0x143: {  	[sflag:s30] =	ssyncadd.s32 $0xFFFFF800  }
0x144: {  	_ =	swait.ge [sflag:s30], $0x800  }
0x145: {  	[sflag:s30] =	ssyncset.done $0x0  }
0x146: {  	[sflag:s30] =	ssyncadd.s32 $0xFFFFF800  }
0x147: {  	_ =	swait.ge [sflag:s30], $0x800  }
0x148: {  	[sflag:s30] =	ssyncset.done $0x0  }
0x149: {  	[sflag:s30] =	ssyncadd.s32 $0xFFFFF800  }
0x14a: {  	_ =	swait.ge [sflag:s30], $0x800  }
0x14b: {  	[sflag:s30] =	ssyncset.done $0x0  }
0x14c: {  	[sflag:s30] =	ssyncadd.s32 $0xFFFFF800  }
0x14d: {  	_ =	swait.ge [sflag:s30], $0x800  }
0x14e: {  	[sflag:s30] =	ssyncset.done $0x0  }
0x14f: {  	s24 =	simm.s32 $0x5B00;
	[sflag:s30] =	ssyncadd.s32 $0xFFFFF800  }
0x150: {  	[tilespmem:s20], [sflag:$0x2] =	stream.indirect.gather [hbm4b:s4+s18], $0x10, s24, s18, $0xb8;
	[tilespmem:$0x17900] =	vst v63  }
0x151: {  	_ =	swait.ge [sflag:s21], $0x6800  }
0x152: {  	[sflag:s21] =	ssyncset.done $0x0  }
0x153: {  	s3 =	simm.s32 $0x8F00;
	[sflag:s21] =	ssyncadd.s32 $0xFFFF9800  }
0x154: {  	[hbm4b:s5+s22] =	stream.indirect.scatter [tilespmem:s20], [sflag:$0x3], $0x10, s3, s22, $0xb8;
	[tilespmem:$0x17900] =	vst v63  }
0x155: {  	s16 =	simm.s32 $0x8F80  }
0x156: {  	[hbm4b:s5+s22] =	stream.indirect.scatter [tilespmem:s19], [sflag:$0x3], $0x10, s16, s22, $0xb8;
	[tilespmem:$0x17900] =	vst v63  }
0x157: {  	s24 =	simm.s32 $0x9000  }
0x158: {  	[hbm4b:s5+s22] =	stream.indirect.scatter [tilespmem:s26], [sflag:$0x3], $0x10, s24, s22, $0xb8;
	[tilespmem:$0x17900] =	vst v63  }
0x159: {  	s3 =	simm.s32 $0x9080  }
0x15a: {  	[hbm4b:s5+s22] =	stream.indirect.scatter [tilespmem:s29], [sflag:$0x3], $0x10, s3, s22, $0xb8;
	[tilespmem:$0x17900] =	vst v63  }
0x15b: {  	s16 =	simm.s32 $0xC900;
	s24 =	simm.s32 $0x9100  }
0x15c: {  	[hbm4b:s5+s22] =	stream.indirect.scatter [tilespmem:s16], [sflag:$0x3], $0x10, s24, s22, $0xb8;
	[tilespmem:$0x17900] =	vst v63  }
0x15d: {  	s16 =	simm.s32 $0xD100;
	s24 =	simm.s32 $0x9180  }
0x15e: {  	[hbm4b:s5+s22] =	stream.indirect.scatter [tilespmem:s16], [sflag:$0x3], $0x10, s24, s22, $0xb8;
	[tilespmem:$0x17900] =	vst v63  }
0x15f: {  	s16 =	simm.s32 $0xD900;
	s24 =	simm.s32 $0x9200  }
0x160: {  	[hbm4b:s5+s22] =	stream.indirect.scatter [tilespmem:s16], [sflag:$0x3], $0x10, s24, s22, $0xb8;
	[tilespmem:$0x17900] =	vst v63  }
0x161: {  	s16 =	simm.s32 $0xE100;
	s24 =	simm.s32 $0x9280  }
0x162: {  	[hbm4b:s5+s22] =	stream.indirect.scatter [tilespmem:s16], [sflag:$0x3], $0x10, s24, s22, $0xb8;
	[tilespmem:$0x17900] =	vst v63  }
0x163: {  	s16 =	simm.s32 $0xE900;
	s24 =	simm.s32 $0x9300  }
0x164: {  	[hbm4b:s5+s22] =	stream.indirect.scatter [tilespmem:s16], [sflag:$0x3], $0x10, s24, s22, $0xb8;
	[tilespmem:$0x17900] =	vst v63  }
0x165: {  	s16 =	simm.s32 $0xF100;
	s24 =	simm.s32 $0x9380  }
0x166: {  	[hbm4b:s5+s22] =	stream.indirect.scatter [tilespmem:s16], [sflag:$0x3], $0x10, s24, s22, $0xb8;
	[tilespmem:$0x17900] =	vst v63  }
0x167: {  	s16 =	simm.s32 $0xF900;
	s24 =	simm.s32 $0x9400  }
0x168: {  	[hbm4b:s5+s22] =	stream.indirect.scatter [tilespmem:s16], [sflag:$0x3], $0x10, s24, s22, $0xb8;
	[tilespmem:$0x17900] =	vst v63  }
0x169: {  	s16 =	simm.s32 $0x10100;
	s24 =	simm.s32 $0x9480  }
0x16a: {  	[hbm4b:s5+s22] =	stream.indirect.scatter [tilespmem:s16], [sflag:$0x3], $0x10, s24, s22, $0xb8;
	[tilespmem:$0x17900] =	vst v63  }
0x16b: {  	s3 =	simm.s32 $0x10900;
	s16 =	simm.s32 $0x9500  }
0x16c: {  	[hbm4b:s5+s22] =	stream.indirect.scatter [tilespmem:s3], [sflag:$0x3], $0x10, s16, s22, $0xb8;
	[tilespmem:$0x17900] =	vst v63  }
0x16d: {  	_ =	swait.ge [sflag:s1], $0x800  }
0x16e: {  	[sflag:s1] =	ssyncset.done $0x0  }
0x16f: {  	[sflag:s1] =	ssyncadd.s32 $0xFFFFF800  }
0x170: {  	_ =	swait.ge [sflag:s1], $0x800  }
0x171: {  	[sflag:s1] =	ssyncset.done $0x0  }
0x172: {  	[sflag:s1] =	ssyncadd.s32 $0xFFFFF800  }
0x173: {  	_ =	swait.ge [sflag:s1], $0x800  }
0x174: {  	[sflag:s1] =	ssyncset.done $0x0  }
0x175: {  	[sflag:s1] =	ssyncadd.s32 $0xFFFFF800  }
0x176: {  	_ =	swait.ge [sflag:s1], $0x800  }
0x177: {  	[sflag:s1] =	ssyncset.done $0x0  }
0x178: {  	[sflag:s1] =	ssyncadd.s32 $0xFFFFF800  }
0x179: {  	_ =	swait.ge [sflag:s1], $0x800  }
0x17a: {  	[sflag:s1] =	ssyncset.done $0x0  }
0x17b: {  	[sflag:s1] =	ssyncadd.s32 $0xFFFFF800  }
0x17c: {  	_ =	swait.ge [sflag:s1], $0x800  }
0x17d: {  	[sflag:s1] =	ssyncset.done $0x0  }
0x17e: {  	[sflag:s1] =	ssyncadd.s32 $0xFFFFF800  }
0x17f: {  	_ =	swait.ge [sflag:s1], $0x800  }
0x180: {  	[sflag:s1] =	ssyncset.done $0x0  }
0x181: {  	[sflag:s1] =	ssyncadd.s32 $0xFFFFF800  }
0x182: {  	_ =	swait.ge [sflag:s1], $0x800  }
0x183: {  	[sflag:s1] =	ssyncset.done $0x0  }
0x184: {  	[sflag:s1] =	ssyncadd.s32 $0xFFFFF800  }
0x185: {  	_ =	swait.ge [sflag:s1], $0x800  }
0x186: {  	[sflag:s1] =	ssyncset.done $0x0  }
0x187: {  	[sflag:s1] =	ssyncadd.s32 $0xFFFFF800  }
0x188: {  	_ =	swait.ge [sflag:s1], $0x800  }
0x189: {  	[sflag:s1] =	ssyncset.done $0x0  }
0x18a: {  	[sflag:s1] =	ssyncadd.s32 $0xFFFFF800  }
0x18b: {  	_ =	swait.ge [sflag:s1], $0x800  }
0x18c: {  	[sflag:s1] =	ssyncset.done $0x0  }
0x18d: {  	[sflag:s1] =	ssyncadd.s32 $0xFFFFF800  }
0x18e: {  	_ =	swait.ge [sflag:s1], $0x800  }
0x18f: {  	[sflag:s1] =	ssyncset.done $0x0  }
0x190: {  	[sflag:s1] =	ssyncadd.s32 $0xFFFFF800  }
0x191: {  	_ =	swait.ge [sflag:s1], $0x800  }
0x192: {  	[sflag:s1] =	ssyncset.done $0x0  }
0x193: {  	s24 =	simm.s32 $0x6180;
	[sflag:s1] =	ssyncadd.s32 $0xFFFFF800  }
0x194: {  	[tilespmem:s15], [sflag:$0x2] =	stream.indirect.gather [hbm4b:s4+s18], $0x10, s24, s18, $0xb8;
	[tilespmem:$0x17900] =	vst v63  }
0x195: {  	_ =	swait.ge [sflag:s17], $0xD00  }
0x196: {  	[sflag:s17] =	ssyncset.done $0x0  }
0x197: {  	s3 =	simm.s32 $0x0;
	[sflag:s17] =	ssyncadd.s32 $0xFFFFF300  }
0x198: {  	v2 =	vld [tilespmem:s3+$0x3400];
	_ =	sdelay $0x3  }
0x199: {  	v1 =	vbroadcast v1, $0x0;
	s16 =	simm.s32 $0x40;
	s24 =	smov.u32 s11  }
.LBB2_12:
0x19a: {  	s0 =	sshra.s32 s16, $0x2;
	p0 =	sne.s32 s16, $0x33C0;
	s16 =	sadd.s32 $0x40, s16;
	v3 =	vshll.u32 v2, $0x2  }
.Ltmp5:
0x19b: {  	v2 =	vld [tilespmem:s0+$0x3400];
	v1 =	vadd.s32 v1, v3;
	(pc) =	sbr.rel @p0 .LBB2_12-.Ltmp5, $4  }
0x19c: {  	s24 =	sadd.s32 $0x10, s24;
	v1 =	vor.u32 $0x3, v1  }
0x19d: {  	v3 =	vmov s24;
	[tilespmem:s3+$0x6800] =	vst v1;
	s3 =	smov.u32 s0  }
0x19e: {  	v1 =	vand.u32 $0xFFFFF000, v3  }
0x19f: {  	v1 =	vbroadcast v1, $0x0  }
0x1a0: {  	v2 =	vshll.u32 v2, $0x2  }
0x1a1: {  	v1 =	vadd.s32 v1, v2  }
0x1a2: {  	v1 =	vor.u32 $0x3, v1  }
0x1a3: {  	[tilespmem:s3+$0x6800] =	vst v1  }
0x1a4: {  	_ =	swait.ge [sflag:s21], $0x6800  }
0x1a5: {  	[sflag:s21] =	ssyncset.done $0x0  }
0x1a6: {  	s0 =	simm.s32 $0x9580;
	[sflag:s21] =	ssyncadd.s32 $0xFFFF9800  }
0x1a7: {  	[hbm4b:s5+s22] =	stream.indirect.scatter [tilespmem:s15], [sflag:$0x4], $0x10, s0, s22, $0xb8;
	[tilespmem:$0x17900] =	vst v63  }
0x1a8: {  	s3 =	simm.s32 $0x9600  }
0x1a9: {  	[hbm4b:s5+s22] =	stream.indirect.scatter [tilespmem:s23], [sflag:$0x4], $0x10, s3, s22, $0xb8;
	[tilespmem:$0x17900] =	vst v63  }
0x1aa: {  	s16 =	simm.s32 $0x9680  }
0x1ab: {  	[hbm4b:s5+s22] =	stream.indirect.scatter [tilespmem:s31], [sflag:$0x4], $0x10, s16, s22, $0xb8;
	[tilespmem:$0x17900] =	vst v63  }
0x1ac: {  	s24 =	simm.s32 $0x9700  }
0x1ad: {  	[hbm4b:s5+s22] =	stream.indirect.scatter [tilespmem:s2], [sflag:$0x4], $0x10, s24, s22, $0xb8;
	[tilespmem:$0x17900] =	vst v63  }
0x1ae: {  	s3 =	simm.s32 $0x9780  }
0x1af: {  	[hbm4b:s5+s22] =	stream.indirect.scatter [tilespmem:s6], [sflag:$0x4], $0x10, s3, s22, $0xb8;
	[tilespmem:$0x17900] =	vst v63  }
0x1b0: {  	s16 =	simm.s32 $0x9800  }
0x1b1: {  	[hbm4b:s5+s22] =	stream.indirect.scatter [tilespmem:s7], [sflag:$0x4], $0x10, s16, s22, $0xb8;
	[tilespmem:$0x17900] =	vst v63  }
0x1b2: {  	s24 =	simm.s32 $0x9880  }
0x1b3: {  	[hbm4b:s5+s22] =	stream.indirect.scatter [tilespmem:s8], [sflag:$0x4], $0x10, s24, s22, $0xb8;
	[tilespmem:$0x17900] =	vst v63  }
0x1b4: {  	s3 =	simm.s32 $0x9900  }
0x1b5: {  	[hbm4b:s5+s22] =	stream.indirect.scatter [tilespmem:s9], [sflag:$0x4], $0x10, s3, s22, $0xb8;
	[tilespmem:$0x17900] =	vst v63  }
0x1b6: {  	s16 =	simm.s32 $0x9980  }
0x1b7: {  	[hbm4b:s5+s22] =	stream.indirect.scatter [tilespmem:s10], [sflag:$0x4], $0x10, s16, s22, $0xb8;
	[tilespmem:$0x17900] =	vst v63  }
0x1b8: {  	s24 =	simm.s32 $0x9A00  }
0x1b9: {  	[hbm4b:s5+s22] =	stream.indirect.scatter [tilespmem:s12], [sflag:$0x4], $0x10, s24, s22, $0xb8;
	[tilespmem:$0x17900] =	vst v63  }
0x1ba: {  	s3 =	simm.s32 $0x9A80  }
0x1bb: {  	[hbm4b:s5+s22] =	stream.indirect.scatter [tilespmem:s13], [sflag:$0x4], $0x10, s3, s22, $0xb8;
	[tilespmem:$0x17900] =	vst v63  }
0x1bc: {  	s16 =	simm.s32 $0x9B00  }
0x1bd: {  	[hbm4b:s5+s22] =	stream.indirect.scatter [tilespmem:s25], [sflag:$0x4], $0x10, s16, s22, $0xb8;
	[tilespmem:$0x17900] =	vst v63  }
0x1be: {  	s24 =	simm.s32 $0x9B80  }
0x1bf: {  	[hbm4b:s5+s22] =	stream.indirect.scatter [tilespmem:s28], [sflag:$0x4], $0x10, s24, s22, $0xb8;
	[tilespmem:$0x17900] =	vst v63  }
0x1c0: {  	_ =	swait.ge [sflag:s30], $0x800  }
0x1c1: {  	[sflag:s30] =	ssyncset.done $0x0  }
0x1c2: {  	[sflag:s30] =	ssyncadd.s32 $0xFFFFF800  }
0x1c3: {  	_ =	swait.ge [sflag:s30], $0x800  }
0x1c4: {  	[sflag:s30] =	ssyncset.done $0x0  }
0x1c5: {  	[sflag:s30] =	ssyncadd.s32 $0xFFFFF800  }
0x1c6: {  	_ =	swait.ge [sflag:s30], $0x800  }
0x1c7: {  	[sflag:s30] =	ssyncset.done $0x0  }
0x1c8: {  	[sflag:s30] =	ssyncadd.s32 $0xFFFFF800  }
0x1c9: {  	_ =	swait.ge [sflag:s30], $0x800  }
0x1ca: {  	[sflag:s30] =	ssyncset.done $0x0  }
0x1cb: {  	[sflag:s30] =	ssyncadd.s32 $0xFFFFF800  }
0x1cc: {  	_ =	swait.ge [sflag:s30], $0x800  }
0x1cd: {  	[sflag:s30] =	ssyncset.done $0x0  }
0x1ce: {  	[sflag:s30] =	ssyncadd.s32 $0xFFFFF800  }
0x1cf: {  	_ =	swait.ge [sflag:s30], $0x800  }
0x1d0: {  	[sflag:s30] =	ssyncset.done $0x0  }
0x1d1: {  	[sflag:s30] =	ssyncadd.s32 $0xFFFFF800  }
0x1d2: {  	_ =	swait.ge [sflag:s30], $0x800  }
0x1d3: {  	[sflag:s30] =	ssyncset.done $0x0  }
0x1d4: {  	[sflag:s30] =	ssyncadd.s32 $0xFFFFF800  }
0x1d5: {  	_ =	swait.ge [sflag:s30], $0x800  }
0x1d6: {  	[sflag:s30] =	ssyncset.done $0x0  }
0x1d7: {  	[sflag:s30] =	ssyncadd.s32 $0xFFFFF800  }
0x1d8: {  	_ =	swait.ge [sflag:s30], $0x800  }
0x1d9: {  	[sflag:s30] =	ssyncset.done $0x0  }
0x1da: {  	[sflag:s30] =	ssyncadd.s32 $0xFFFFF800  }
0x1db: {  	_ =	swait.ge [sflag:s30], $0x800  }
0x1dc: {  	[sflag:s30] =	ssyncset.done $0x0  }
0x1dd: {  	[sflag:s30] =	ssyncadd.s32 $0xFFFFF800  }
0x1de: {  	_ =	swait.ge [sflag:s30], $0x800  }
0x1df: {  	[sflag:s30] =	ssyncset.done $0x0  }
0x1e0: {  	[sflag:s30] =	ssyncadd.s32 $0xFFFFF800  }
0x1e1: {  	_ =	swait.ge [sflag:s30], $0x800  }
0x1e2: {  	[sflag:s30] =	ssyncset.done $0x0  }
0x1e3: {  	[sflag:s30] =	ssyncadd.s32 $0xFFFFF800  }
0x1e4: {  	_ =	swait.ge [sflag:s30], $0x800  }
0x1e5: {  	[sflag:s30] =	ssyncset.done $0x0  }
0x1e6: {  	s3 =	simm.s32 $0x6800;
	[sflag:s30] =	ssyncadd.s32 $0xFFFFF800  }
0x1e7: {  	[tilespmem:s20], [sflag:$0x2] =	stream.indirect.gather [hbm4b:s4+s18], $0x10, s3, s18, $0xb8;
	[tilespmem:$0x17900] =	vst v63  }
0x1e8: {  	_ =	swait.ge [sflag:s21], $0x6800  }
0x1e9: {  	[sflag:s21] =	ssyncset.done $0x0  }
0x1ea: {  	s16 =	simm.s32 $0x9C00;
	[sflag:s21] =	ssyncadd.s32 $0xFFFF9800  }
0x1eb: {  	[hbm4b:s5+s22] =	stream.indirect.scatter [tilespmem:s20], [sflag:$0x3], $0x10, s16, s22, $0xb8;
	[tilespmem:$0x17900] =	vst v63  }
0x1ec: {  	s24 =	simm.s32 $0x9C80  }
0x1ed: {  	[hbm4b:s5+s22] =	stream.indirect.scatter [tilespmem:s19], [sflag:$0x3], $0x10, s24, s22, $0xb8;
	[tilespmem:$0x17900] =	vst v63  }
0x1ee: {  	s3 =	simm.s32 $0x9D00  }
0x1ef: {  	[hbm4b:s5+s22] =	stream.indirect.scatter [tilespmem:s26], [sflag:$0x3], $0x10, s3, s22, $0xb8;
	[tilespmem:$0x17900] =	vst v63  }
0x1f0: {  	s16 =	simm.s32 $0x9D80  }
0x1f1: {  	[hbm4b:s5+s22] =	stream.indirect.scatter [tilespmem:s29], [sflag:$0x3], $0x10, s16, s22, $0xb8;
	[tilespmem:$0x17900] =	vst v63  }
0x1f2: {  	s19 =	simm.s32 $0xC900;
	s24 =	simm.s32 $0x9E00  }
0x1f3: {  	[hbm4b:s5+s22] =	stream.indirect.scatter [tilespmem:s19], [sflag:$0x3], $0x10, s24, s22, $0xb8;
	[tilespmem:$0x17900] =	vst v63  }
0x1f4: {  	s26 =	simm.s32 $0xD100;
	s29 =	simm.s32 $0x9E80  }
0x1f5: {  	[hbm4b:s5+s22] =	stream.indirect.scatter [tilespmem:s26], [sflag:$0x3], $0x10, s29, s22, $0xb8;
	[tilespmem:$0x17900] =	vst v63  }
0x1f6: {  	s3 =	simm.s32 $0xD900;
	s16 =	simm.s32 $0x9F00  }
0x1f7: {  	[hbm4b:s5+s22] =	stream.indirect.scatter [tilespmem:s3], [sflag:$0x3], $0x10, s16, s22, $0xb8;
	[tilespmem:$0x17900] =	vst v63  }
0x1f8: {  	s19 =	simm.s32 $0xE100;
	s24 =	simm.s32 $0x9F80  }
0x1f9: {  	[hbm4b:s5+s22] =	stream.indirect.scatter [tilespmem:s19], [sflag:$0x3], $0x10, s24, s22, $0xb8;
	[tilespmem:$0x17900] =	vst v63  }
0x1fa: {  	s26 =	simm.s32 $0xE900;
	s29 =	simm.s32 $0xA000  }
0x1fb: {  	[hbm4b:s5+s22] =	stream.indirect.scatter [tilespmem:s26], [sflag:$0x3], $0x10, s29, s22, $0xb8;
	[tilespmem:$0x17900] =	vst v63  }
0x1fc: {  	s3 =	simm.s32 $0xF100;
	s16 =	simm.s32 $0xA080  }
0x1fd: {  	[hbm4b:s5+s22] =	stream.indirect.scatter [tilespmem:s3], [sflag:$0x3], $0x10, s16, s22, $0xb8;
	[tilespmem:$0x17900] =	vst v63  }
0x1fe: {  	s19 =	simm.s32 $0xF900;
	s24 =	simm.s32 $0xA100  }
0x1ff: {  	[hbm4b:s5+s22] =	stream.indirect.scatter [tilespmem:s19], [sflag:$0x3], $0x10, s24, s22, $0xb8;
	[tilespmem:$0x17900] =	vst v63  }
0x200: {  	s26 =	simm.s32 $0x10100;
	s29 =	simm.s32 $0xA180  }
0x201: {  	[hbm4b:s5+s22] =	stream.indirect.scatter [tilespmem:s26], [sflag:$0x3], $0x10, s29, s22, $0xb8;
	[tilespmem:$0x17900] =	vst v63  }
0x202: {  	s16 =	simm.s32 $0x10900;
	s19 =	simm.s32 $0xA200  }
0x203: {  	[hbm4b:s5+s22] =	stream.indirect.scatter [tilespmem:s16], [sflag:$0x3], $0x10, s19, s22, $0xb8;
	[tilespmem:$0x17900] =	vst v63  }
0x204: {  	_ =	swait.ge [sflag:s1], $0x800  }
0x205: {  	[sflag:s1] =	ssyncset.done $0x0  }
0x206: {  	[sflag:s1] =	ssyncadd.s32 $0xFFFFF800  }
0x207: {  	_ =	swait.ge [sflag:s1], $0x800  }
0x208: {  	[sflag:s1] =	ssyncset.done $0x0  }
0x209: {  	[sflag:s1] =	ssyncadd.s32 $0xFFFFF800  }
0x20a: {  	_ =	swait.ge [sflag:s1], $0x800  }
0x20b: {  	[sflag:s1] =	ssyncset.done $0x0  }
0x20c: {  	[sflag:s1] =	ssyncadd.s32 $0xFFFFF800  }
0x20d: {  	_ =	swait.ge [sflag:s1], $0x800  }
0x20e: {  	[sflag:s1] =	ssyncset.done $0x0  }
0x20f: {  	[sflag:s1] =	ssyncadd.s32 $0xFFFFF800  }
0x210: {  	_ =	swait.ge [sflag:s1], $0x800  }
0x211: {  	[sflag:s1] =	ssyncset.done $0x0  }
0x212: {  	[sflag:s1] =	ssyncadd.s32 $0xFFFFF800  }
0x213: {  	_ =	swait.ge [sflag:s1], $0x800  }
0x214: {  	[sflag:s1] =	ssyncset.done $0x0  }
0x215: {  	[sflag:s1] =	ssyncadd.s32 $0xFFFFF800  }
0x216: {  	_ =	swait.ge [sflag:s1], $0x800  }
0x217: {  	[sflag:s1] =	ssyncset.done $0x0  }
0x218: {  	[sflag:s1] =	ssyncadd.s32 $0xFFFFF800  }
0x219: {  	_ =	swait.ge [sflag:s1], $0x800  }
0x21a: {  	[sflag:s1] =	ssyncset.done $0x0  }
0x21b: {  	[sflag:s1] =	ssyncadd.s32 $0xFFFFF800  }
0x21c: {  	_ =	swait.ge [sflag:s1], $0x800  }
0x21d: {  	[sflag:s1] =	ssyncset.done $0x0  }
0x21e: {  	[sflag:s1] =	ssyncadd.s32 $0xFFFFF800  }
0x21f: {  	_ =	swait.ge [sflag:s1], $0x800  }
0x220: {  	[sflag:s1] =	ssyncset.done $0x0  }
0x221: {  	[sflag:s1] =	ssyncadd.s32 $0xFFFFF800  }
0x222: {  	_ =	swait.ge [sflag:s1], $0x800  }
0x223: {  	[sflag:s1] =	ssyncset.done $0x0  }
0x224: {  	[sflag:s1] =	ssyncadd.s32 $0xFFFFF800  }
0x225: {  	_ =	swait.ge [sflag:s1], $0x800  }
0x226: {  	[sflag:s1] =	ssyncset.done $0x0  }
0x227: {  	[sflag:s1] =	ssyncadd.s32 $0xFFFFF800  }
0x228: {  	_ =	swait.ge [sflag:s1], $0x800  }
0x229: {  	[sflag:s1] =	ssyncset.done $0x0  }
0x22a: {  	s24 =	simm.s32 $0x6E80;
	[sflag:s1] =	ssyncadd.s32 $0xFFFFF800  }
0x22b: {  	[tilespmem:s15], [sflag:$0x2] =	stream.indirect.gather [hbm4b:s4+s18], $0x10, s24, s18, $0xb8;
	[tilespmem:$0x17900] =	vst v63  }
0x22c: {  	_ =	swait.ge [sflag:s21], $0x6800  }
0x22d: {  	[sflag:s21] =	ssyncset.done $0x0  }
0x22e: {  	s26 =	simm.s32 $0xA280;
	[sflag:s21] =	ssyncadd.s32 $0xFFFF9800  }
0x22f: {  	[hbm4b:s5+s22] =	stream.indirect.scatter [tilespmem:s15], [sflag:$0x4], $0x10, s26, s22, $0xb8;
	[tilespmem:$0x17900] =	vst v63  }
0x230: {  	s29 =	simm.s32 $0xA300  }
0x231: {  	[hbm4b:s5+s22] =	stream.indirect.scatter [tilespmem:s23], [sflag:$0x4], $0x10, s29, s22, $0xb8;
	[tilespmem:$0x17900] =	vst v63  }
0x232: {  	s3 =	simm.s32 $0xA380  }
0x233: {  	[hbm4b:s5+s22] =	stream.indirect.scatter [tilespmem:s31], [sflag:$0x4], $0x10, s3, s22, $0xb8;
	[tilespmem:$0x17900] =	vst v63  }
0x234: {  	s16 =	simm.s32 $0xA400  }
0x235: {  	[hbm4b:s5+s22] =	stream.indirect.scatter [tilespmem:s2], [sflag:$0x4], $0x10, s16, s22, $0xb8;
	[tilespmem:$0x17900] =	vst v63  }
0x236: {  	s19 =	simm.s32 $0xA480  }
0x237: {  	[hbm4b:s5+s22] =	stream.indirect.scatter [tilespmem:s6], [sflag:$0x4], $0x10, s19, s22, $0xb8;
	[tilespmem:$0x17900] =	vst v63  }
0x238: {  	s24 =	simm.s32 $0xA500  }
0x239: {  	[hbm4b:s5+s22] =	stream.indirect.scatter [tilespmem:s7], [sflag:$0x4], $0x10, s24, s22, $0xb8;
	[tilespmem:$0x17900] =	vst v63  }
0x23a: {  	s26 =	simm.s32 $0xA580  }
0x23b: {  	[hbm4b:s5+s22] =	stream.indirect.scatter [tilespmem:s8], [sflag:$0x4], $0x10, s26, s22, $0xb8;
	[tilespmem:$0x17900] =	vst v63  }
0x23c: {  	s29 =	simm.s32 $0xA600  }
0x23d: {  	[hbm4b:s5+s22] =	stream.indirect.scatter [tilespmem:s9], [sflag:$0x4], $0x10, s29, s22, $0xb8;
	[tilespmem:$0x17900] =	vst v63  }
0x23e: {  	s3 =	simm.s32 $0xA680  }
0x23f: {  	[hbm4b:s5+s22] =	stream.indirect.scatter [tilespmem:s10], [sflag:$0x4], $0x10, s3, s22, $0xb8;
	[tilespmem:$0x17900] =	vst v63  }
0x240: {  	s16 =	simm.s32 $0xA700  }
0x241: {  	[hbm4b:s5+s22] =	stream.indirect.scatter [tilespmem:s12], [sflag:$0x4], $0x10, s16, s22, $0xb8;
	[tilespmem:$0x17900] =	vst v63  }
0x242: {  	s19 =	simm.s32 $0xA780  }
0x243: {  	[hbm4b:s5+s22] =	stream.indirect.scatter [tilespmem:s13], [sflag:$0x4], $0x10, s19, s22, $0xb8;
	[tilespmem:$0x17900] =	vst v63  }
0x244: {  	s24 =	simm.s32 $0xA800  }
0x245: {  	[hbm4b:s5+s22] =	stream.indirect.scatter [tilespmem:s25], [sflag:$0x4], $0x10, s24, s22, $0xb8;
	[tilespmem:$0x17900] =	vst v63  }
0x246: {  	s26 =	simm.s32 $0xA880  }
0x247: {  	[hbm4b:s5+s22] =	stream.indirect.scatter [tilespmem:s28], [sflag:$0x4], $0x10, s26, s22, $0xb8;
	[tilespmem:$0x17900] =	vst v63  }
0x248: {  	_ =	swait.ge [sflag:s30], $0x800  }
0x249: {  	[sflag:s30] =	ssyncset.done $0x0  }
0x24a: {  	[sflag:s30] =	ssyncadd.s32 $0xFFFFF800  }
0x24b: {  	_ =	swait.ge [sflag:s30], $0x800  }
0x24c: {  	[sflag:s30] =	ssyncset.done $0x0  }
0x24d: {  	[sflag:s30] =	ssyncadd.s32 $0xFFFFF800  }
0x24e: {  	_ =	swait.ge [sflag:s30], $0x800  }
0x24f: {  	[sflag:s30] =	ssyncset.done $0x0  }
0x250: {  	[sflag:s30] =	ssyncadd.s32 $0xFFFFF800  }
0x251: {  	_ =	swait.ge [sflag:s30], $0x800  }
0x252: {  	[sflag:s30] =	ssyncset.done $0x0  }
0x253: {  	[sflag:s30] =	ssyncadd.s32 $0xFFFFF800  }
0x254: {  	_ =	swait.ge [sflag:s30], $0x800  }
0x255: {  	[sflag:s30] =	ssyncset.done $0x0  }
0x256: {  	[sflag:s30] =	ssyncadd.s32 $0xFFFFF800  }
0x257: {  	_ =	swait.ge [sflag:s30], $0x800  }
0x258: {  	[sflag:s30] =	ssyncset.done $0x0  }
0x259: {  	[sflag:s30] =	ssyncadd.s32 $0xFFFFF800  }
0x25a: {  	_ =	swait.ge [sflag:s30], $0x800  }
0x25b: {  	[sflag:s30] =	ssyncset.done $0x0  }
0x25c: {  	[sflag:s30] =	ssyncadd.s32 $0xFFFFF800  }
0x25d: {  	_ =	swait.ge [sflag:s30], $0x800  }
0x25e: {  	[sflag:s30] =	ssyncset.done $0x0  }
0x25f: {  	[sflag:s30] =	ssyncadd.s32 $0xFFFFF800  }
0x260: {  	_ =	swait.ge [sflag:s30], $0x800  }
0x261: {  	[sflag:s30] =	ssyncset.done $0x0  }
0x262: {  	[sflag:s30] =	ssyncadd.s32 $0xFFFFF800  }
0x263: {  	_ =	swait.ge [sflag:s30], $0x800  }
0x264: {  	[sflag:s30] =	ssyncset.done $0x0  }
0x265: {  	[sflag:s30] =	ssyncadd.s32 $0xFFFFF800  }
0x266: {  	_ =	swait.ge [sflag:s30], $0x800  }
0x267: {  	[sflag:s30] =	ssyncset.done $0x0  }
0x268: {  	[sflag:s30] =	ssyncadd.s32 $0xFFFFF800  }
0x269: {  	_ =	swait.ge [sflag:s30], $0x800  }
0x26a: {  	[sflag:s30] =	ssyncset.done $0x0  }
0x26b: {  	[sflag:s30] =	ssyncadd.s32 $0xFFFFF800  }
0x26c: {  	_ =	swait.ge [sflag:s30], $0x800  }
0x26d: {  	[sflag:s30] =	ssyncset.done $0x0  }
0x26e: {  	[sflag:s30] =	ssyncadd.s32 $0xFFFFF800  }
0x26f: {  	_ =	swait.ge [sflag:s1], $0x800  }
0x270: {  	[sflag:s1] =	ssyncset.done $0x0  }
0x271: {  	[sflag:s1] =	ssyncadd.s32 $0xFFFFF800  }
0x272: {  	_ =	swait.ge [sflag:s1], $0x800  }
0x273: {  	[sflag:s1] =	ssyncset.done $0x0  }
0x274: {  	[sflag:s1] =	ssyncadd.s32 $0xFFFFF800  }
0x275: {  	_ =	swait.ge [sflag:s1], $0x800  }
0x276: {  	[sflag:s1] =	ssyncset.done $0x0  }
0x277: {  	[sflag:s1] =	ssyncadd.s32 $0xFFFFF800  }
0x278: {  	_ =	swait.ge [sflag:s1], $0x800  }
0x279: {  	[sflag:s1] =	ssyncset.done $0x0  }
0x27a: {  	[sflag:s1] =	ssyncadd.s32 $0xFFFFF800  }
0x27b: {  	_ =	swait.ge [sflag:s1], $0x800  }
0x27c: {  	[sflag:s1] =	ssyncset.done $0x0  }
0x27d: {  	[sflag:s1] =	ssyncadd.s32 $0xFFFFF800  }
0x27e: {  	_ =	swait.ge [sflag:s1], $0x800  }
0x27f: {  	[sflag:s1] =	ssyncset.done $0x0  }
0x280: {  	[sflag:s1] =	ssyncadd.s32 $0xFFFFF800  }
0x281: {  	_ =	swait.ge [sflag:s1], $0x800  }
0x282: {  	[sflag:s1] =	ssyncset.done $0x0  }
0x283: {  	[sflag:s1] =	ssyncadd.s32 $0xFFFFF800  }
0x284: {  	_ =	swait.ge [sflag:s1], $0x800  }
0x285: {  	[sflag:s1] =	ssyncset.done $0x0  }
0x286: {  	[sflag:s1] =	ssyncadd.s32 $0xFFFFF800  }
0x287: {  	_ =	swait.ge [sflag:s1], $0x800  }
0x288: {  	[sflag:s1] =	ssyncset.done $0x0  }
0x289: {  	[sflag:s1] =	ssyncadd.s32 $0xFFFFF800  }
0x28a: {  	_ =	swait.ge [sflag:s1], $0x800  }
0x28b: {  	[sflag:s1] =	ssyncset.done $0x0  }
0x28c: {  	[sflag:s1] =	ssyncadd.s32 $0xFFFFF800  }
0x28d: {  	_ =	swait.ge [sflag:s1], $0x800  }
0x28e: {  	[sflag:s1] =	ssyncset.done $0x0  }
0x28f: {  	[sflag:s1] =	ssyncadd.s32 $0xFFFFF800  }
0x290: {  	_ =	swait.ge [sflag:s1], $0x800  }
0x291: {  	[sflag:s1] =	ssyncset.done $0x0  }
0x292: {  	[sflag:s1] =	ssyncadd.s32 $0xFFFFF800  }
0x293: {  	_ =	swait.ge [sflag:s1], $0x800  }
0x294: {  	s14 =	sadd.s32 $0x1, s14;
	s29 =	rddreg [dreg:$0x7]  }
0x295: {  	p0 =	sne.s32 s14, s29  }
.Ltmp6:
0x296: {  	_ = 	snop;
	(pc) =	sbr.rel @p0 .LBB2_1-.Ltmp6, $3  }
0x297: {  	_ =	sdelay $0x1  }
0x298: {  	[sflag:s1] =	ssyncset.done $0x0  }
0x299: {  	[sflag:s1] =	ssyncadd.s32 $0xFFFFF800  }
0x29a: {  	_ =	sfence.sel $0x180000  }
0x29b: {  	[bflag:$0x0] =	sbarrier.arrive $0xFFFF  }
0x29c: {  	_ =	strace $0x90000047  }
0x29d: {  	s0 =	stileid.u32;
	[bflag:$0x2] =	sbarrier.arrive $0xFFFF  }
0x29e: {  	p0 =	sne.s32 s0, $0x0;
	s0 =	rddreg [dreg:$0x2]  }
0x29f: {  	s0 =	sadd.s32 @!p0 $0x100000, s0  }
0x2a0: {  	[sflag:s0] =	ssyncadd.tile.s32 @!p0 $0x1;
	_ =	shalt  }
.Lfunc_end2:
_tile_overlayer_lowered:
.L_overlay_start_2:
0x2a1: {  	(tag) =	ssettag $0x2  }
0x2a2: {  	s0 =	rddreg [dreg:$0x0];
	s2 =	stileid.u32  }
0x2a3: {  	s1 =	rddreg [dreg:$0x1];
	p0 =	sne.s32 s2, $0x0  }
0x2a4: {  	s3 =	rddreg [dreg:$0x2];
	[bflag:$0x3] =	sbarrier.arrive $0xFFFF;
	s2 =	simm.s32 @!p0 $0x1C05  }
0x2a5: {  	[timem:s3], [sflag:s2] =	dma.local @!p0 [hbm:s0], s1  }
0x2a6: {  	s0 =	simm.s32 @!p0 $0x5  }
0x2a7: {  	_ =	swait.ge @!p0 [sflag:s0], s1  }
0x2a8: {  	s1 =	ssub.s32 @!p0 $0x0, s1;
	[sflag:s0] =	ssyncset.done @!p0 $0x0  }
0x2a9: {  	[sflag:s0] =	ssyncadd.s32 @!p0 s1  }
0x2aa: {  	[bflag:$0x3] =	sbarrier.arrive $0xFFFF  }
0x2ab: {  	_ =	shalt  }

</sc_bundles>
